<compile_context>
chip_gen: v7x
topology: tpu7x:2x2x1
jax: 0.10.2.dev20260603
libtpu: 0.0.44.dev20260713+nightly
codegen_flags: <defaults>
</compile_context>

<pallas_src>
import functools

import jax
import jax.numpy as jnp
from jax import lax
from jax.experimental import pallas as pl
from jax.experimental.pallas import tpu as pltpu
from jax.experimental.pallas import tpu_sc as plsc

N = 10000
E = 320000
IN_C = 128
OUT_C = 64
NUM_REL = 3
HALF = IN_C // 2
NSUB = 16
CHUNK = 40
NSLOT = 3
E_PAD = 320640
EPS = E_PAD // NSUB
NCHUNK = EPS // CHUNK
NBODY = NCHUNK // NSLOT
TBL = NUM_REL * N + 48
DUMMY_DST = 10008
CNT_PAD = 10240
CNT_PER_SUB = CNT_PAD // NSUB
CNT_Z = 80
NPS = 624
NPS_LAST = 640
ZROWS = 16
_SLICES = (0, 16, 24)


def _sc_scatter(x2, ei3):
    mesh = plsc.VectorSubcoreMesh(core_axis_name="c", subcore_axis_name="s")

    @functools.partial(
        pl.kernel,
        mesh=mesh,
        compiler_params=pltpu.CompilerParams(use_tc_tiling_on_sc=False),
        out_type=[
            jax.ShapeDtypeStruct((NUM_REL, N, IN_C), jnp.float32),
            jax.ShapeDtypeStruct((2, CNT_PAD), jnp.float32),
        ],
        scratch_types=[
            pltpu.VMEM_SHARED((TBL, HALF), jnp.float32),
            pltpu.VMEM_SHARED((CNT_PAD,), jnp.float32),
        ] + [pltpu.VMEM((NUM_REL, CHUNK), jnp.int32)] * NSLOT
          + [pltpu.VMEM((CHUNK,), jnp.int32)] * NSLOT
          + [pltpu.VMEM((CHUNK,), jnp.int32)] * NSLOT
          + [pltpu.VMEM((CHUNK,), jnp.int32)] * NSLOT
          + [pltpu.VMEM((CHUNK, HALF), jnp.float32)] * NSLOT
          + [
            pltpu.VMEM((CHUNK,), jnp.float32),
            pltpu.VMEM((CNT_Z,), jnp.float32),
            pltpu.VMEM((ZROWS, HALF), jnp.float32),
        ] + [pltpu.SemaphoreType.DMA] * (4 * NSLOT + 1),
    )
    def k(x2_hbm, ei_hbm, s2_out, cnt_out,
          tbl, cnt_sp, ei0_v, ei1_v, ei2_v, comb0_v, comb1_v, comb2_v,
          srca0_v, srca1_v, srca2_v, dstc0_v, dstc1_v, dstc2_v,
          rows0_v, rows1_v, rows2_v, ones_v, zc_v, zb_v,
          isem0, isem1, isem2, gsem0, gsem1, gsem2,
          ssem0, ssem1, ssem2, csem0, csem1, csem2, zsem):
        c = lax.axis_index("c")
        s = lax.axis_index("s")
        ei_b = (ei0_v, ei1_v, ei2_v)
        comb_b = (comb0_v, comb1_v, comb2_v)
        srca_b = (srca0_v, srca1_v, srca2_v)
        dstc_b = (dstc0_v, dstc1_v, dstc2_v)
        rows_b = (rows0_v, rows1_v, rows2_v)
        isem_b = (isem0, isem1, isem2)
        gsem_b = (gsem0, gsem1, gsem2)
        ssem_b = (ssem0, ssem1, ssem2)
        csem_b = (csem0, csem1, csem2)

        zeros16 = jnp.zeros((16,), jnp.float32)
        ones16 = jnp.ones((16,), jnp.float32)

        def zc_body(i, _):
            zc_v[pl.ds(i * 16, 16)] = zeros16
            return 0
        lax.fori_loop(0, CNT_Z // 16, zc_body, 0)

        def zb_body(i, _):
            r = i // (HALF // 16)
            col = (i % (HALF // 16)) * 16
            zb_v[r, pl.ds(col, 16)] = zeros16
            return 0
        lax.fori_loop(0, ZROWS * HALF // 16, zb_body, 0)

        for st in _SLICES:
            ones_v[pl.ds(st, 16)] = ones16

        nb = s * NPS
        for r in range(NUM_REL):
            def zt_fire(i, _, r=r):
                pltpu.async_copy(zb_v, tbl.at[pl.ds(r * N + nb + i * ZROWS,
                                                    ZROWS)], zsem)
                return 0
            lax.fori_loop(0, NPS // ZROWS, zt_fire, 0)

            @pl.when(s == NSUB - 1)
            def _(r=r):
                pltpu.async_copy(zb_v.at[pl.ds(0, NPS_LAST - NPS)],
                                 tbl.at[pl.ds(r * N + NSUB * NPS,
                                              NPS_LAST - NPS)], zsem)
        for kk in range(CNT_PER_SUB // CNT_Z):
            pltpu.async_copy(zc_v, cnt_sp.at[pl.ds(s * CNT_PER_SUB + kk * CNT_Z,
                                                   CNT_Z)], zsem)
        for r in range(NUM_REL):
            def zt_wait(i, _, r=r):
                pltpu.make_async_copy(zb_v, tbl.at[pl.ds(r * N + nb + i * ZROWS,
                                                         ZROWS)], zsem).wait()
                return 0
            lax.fori_loop(0, NPS // ZROWS, zt_wait, 0)

            @pl.when(s == NSUB - 1)
            def _(r=r):
                pltpu.make_async_copy(zb_v.at[pl.ds(0, NPS_LAST - NPS)],
                                      tbl.at[pl.ds(r * N + NSUB * NPS,
                                                   NPS_LAST - NPS)],
                                      zsem).wait()
        for kk in range(CNT_PER_SUB // CNT_Z):
            pltpu.make_async_copy(zc_v,
                                  cnt_sp.at[pl.ds(s * CNT_PER_SUB + kk * CNT_Z,
                                                  CNT_Z)], zsem).wait()

        plsc.subcore_barrier()

        base_e = s * EPS

        def idx_fire(j, b):
            pltpu.async_copy(ei_hbm.at[:, pl.ds(base_e + j * CHUNK, CHUNK)],
                             ei_b[b], isem_b[b])

        def prep_and_gather(j, b):
            pltpu.make_async_copy(ei_hbm.at[:, pl.ds(base_e + j * CHUNK,
                                                     CHUNK)],
                                  ei_b[b], isem_b[b]).wait()
            for st in _SLICES:
                sl = pl.ds(st, 16)
                comb_b[b][sl] = ei_b[b][2, sl] * N + ei_b[b][1, sl]
                dstc_b[b][sl] = ei_b[b][1, sl]
                srca_b[b][sl] = ei_b[b][0, sl] * 2 + c

            @pl.when(j + NSLOT < NCHUNK)
            def _():
                idx_fire(j + NSLOT, b)
            pltpu.async_copy(x2_hbm.at[srca_b[b]], rows_b[b], gsem_b[b])

        def scatter(j, b):
            pltpu.make_async_copy(x2_hbm.at[srca_b[b]], rows_b[b],
                                  gsem_b[b]).wait()
            pltpu.async_copy(rows_b[b], tbl.at[comb_b[b]], ssem_b[b], add=True)

            @pl.when(c == (j % 2))
            def _():
                pltpu.async_copy(ones_v, cnt_sp.at[dstc_b[b]], csem_b[b],
                                 add=True)

        def drain_slot(b, par):
            pltpu.make_async_copy(rows_b[b], tbl.at[comb_b[b]],
                                  ssem_b[b]).wait()

            @pl.when(c == par)
            def _():
                pltpu.make_async_copy(ones_v, cnt_sp.at[dstc_b[b]],
                                      csem_b[b]).wait()

        for b in range(NSLOT):
            idx_fire(b, b)

        def ring_body(t, _):
            j0 = t * NSLOT
            for b in range(NSLOT):
                @pl.when(t > 0)
                def _(b=b):
                    drain_slot(b, (j0 - NSLOT + b) % 2)
                prep_and_gather(j0 + b, b)
            for b in range(NSLOT):
                scatter(j0 + b, b)
            return 0
        lax.fori_loop(0, NBODY, ring_body, 0)
        for b in range(NSLOT):
            drain_slot(b, (NCHUNK - NSLOT + b) % 2)

        plsc.subcore_barrier()

        for r in range(NUM_REL):
            @pl.when(s < NSUB - 1)
            def _(r=r):
                pltpu.async_copy(tbl.at[pl.ds(r * N + nb, NPS)],
                                 s2_out.at[r, pl.ds(nb, NPS),
                                           pl.ds(c * HALF, HALF)], zsem)

            @pl.when(s == NSUB - 1)
            def _(r=r):
                pltpu.async_copy(tbl.at[pl.ds(r * N + nb, NPS_LAST)],
                                 s2_out.at[r, pl.ds(nb, NPS_LAST),
                                           pl.ds(c * HALF, HALF)], zsem)

        pltpu.async_copy(cnt_sp.at[pl.ds(s * CNT_PER_SUB, CNT_PER_SUB)],
                         cnt_out.at[c, pl.ds(s * CNT_PER_SUB, CNT_PER_SUB)],
                         zsem)

        for r in range(NUM_REL):
            @pl.when(s < NSUB - 1)
            def _(r=r):
                pltpu.make_async_copy(tbl.at[pl.ds(r * N + nb, NPS)],
                                      s2_out.at[r, pl.ds(nb, NPS),
                                                pl.ds(c * HALF, HALF)],
                                      zsem).wait()

            @pl.when(s == NSUB - 1)
            def _(r=r):
                pltpu.make_async_copy(tbl.at[pl.ds(r * N + nb, NPS_LAST)],
                                      s2_out.at[r, pl.ds(nb, NPS_LAST),
                                                pl.ds(c * HALF, HALF)],
                                      zsem).wait()

        pltpu.make_async_copy(cnt_sp.at[pl.ds(s * CNT_PER_SUB, CNT_PER_SUB)],
                              cnt_out.at[c, pl.ds(s * CNT_PER_SUB,
                                                  CNT_PER_SUB)], zsem).wait()

    return k(x2, ei3)


def _tc_body(s2_ref, cnt_ref, x_ref, att_ref, basis_ref, root_ref,
             bi_ref, bc_ref, bo_ref, h_ref, c_ref):
    att = att_ref[...]
    recip = 1.0 / jnp.maximum(cnt_ref[...], 1.0)
    agg = jnp.zeros((s2_ref.shape[1], 3 * OUT_C), jnp.float32)
    for r in range(NUM_REL):
        w = (att[r, 0] * basis_ref[0]
             + att[r, 1] * basis_ref[1]
             + att[r, 2] * basis_ref[2])
        agg = agg + jnp.dot(s2_ref[r], w,
                            preferred_element_type=jnp.float32)
    g = agg * recip + jnp.dot(x_ref[...], root_ref[...],
                              preferred_element_type=jnp.float32)

    gi = jax.nn.sigmoid(g[:, 0:OUT_C] + bi_ref[...])
    gc = jnp.tanh(g[:, OUT_C:2 * OUT_C] + bc_ref[...])
    go = jax.nn.sigmoid(g[:, 2 * OUT_C:3 * OUT_C] + bo_ref[...])
    next_c = gi * gc
    c_ref[...] = next_c
    h_ref[...] = go * jnp.tanh(next_c)


def kernel(inputs, edge_index, edge_attr, basis_i, att_i, root_i,
           basis_h, att_h, root_h, bias_f, bias_i, bias_c, bias_o):
    del basis_h, att_h, root_h, bias_f
    x = inputs
    x2 = x.reshape(2 * N, HALF)
    ei3 = jnp.concatenate([edge_index.astype(jnp.int32),
                           edge_attr.astype(jnp.int32)[None, :]], axis=0)
    pad = jnp.broadcast_to(
        jnp.array([[0], [DUMMY_DST], [NUM_REL - 1]], jnp.int32),
        (3, E_PAD - E))
    ei3 = jnp.concatenate([ei3, pad], axis=1)

    s2, cnt = _sc_scatter(x2, ei3)

    cnt2 = (cnt[0, :N] + cnt[1, :N]).reshape(N, 1)
    basis2 = basis_i[:, :, OUT_C:]
    root_sl = root_i[:, OUT_C:]
    att_pad = jnp.zeros((8, 128), jnp.float32).at[:NUM_REL, :NUM_REL].set(att_i)
    b_i = bias_i.reshape(1, OUT_C)
    b_c = bias_c.reshape(1, OUT_C)
    b_o = bias_o.reshape(1, OUT_C)

    B = 2000
    grid = (N // B,)
    h, c = pl.pallas_call(
        _tc_body,
        grid=grid,
        in_specs=[
            pl.BlockSpec((NUM_REL, B, IN_C), lambda i: (0, i, 0)),
            pl.BlockSpec((B, 1), lambda i: (i, 0)),
            pl.BlockSpec((B, IN_C), lambda i: (i, 0)),
            pl.BlockSpec((8, 128), lambda i: (0, 0)),
            pl.BlockSpec((NUM_REL, IN_C, 3 * OUT_C), lambda i: (0, 0, 0)),
            pl.BlockSpec((IN_C, 3 * OUT_C), lambda i: (0, 0)),
            pl.BlockSpec((1, OUT_C), lambda i: (0, 0)),
            pl.BlockSpec((1, OUT_C), lambda i: (0, 0)),
            pl.BlockSpec((1, OUT_C), lambda i: (0, 0)),
        ],
        out_specs=[
            pl.BlockSpec((B, OUT_C), lambda i: (i, 0)),
            pl.BlockSpec((B, OUT_C), lambda i: (i, 0)),
        ],
        out_shape=[
            jax.ShapeDtypeStruct((N, OUT_C), jnp.float32),
            jax.ShapeDtypeStruct((N, OUT_C), jnp.float32),
        ],
    )(s2, cnt2, x, att_pad, basis2, root_sl, b_i, b_c, b_o)
    return (h, c)

# --- scband reference (transcript-rebuilt; emitter-appended) ---
"""Pipeline reference for scband-glstmcell-32804960207284 (READ-ONLY COPY).

The authoritative reference and input builder live on the scoring server;
editing this copy changes nothing except your own understanding.
"""

import jax, jax.numpy as jnp
import numpy as np

N = 10000
E = 320000
IN_C = 128
OUT_C = 64
NUM_REL = 3
NUM_BASES = 3
NUM_CHUNKS = 4


def setup_inputs(seed: int = 0) -> dict:
    key = jax.random.key(seed)
    ks = jax.random.split(key, 10)
    inp = {}
    inp["inputs"] = jax.random.normal(ks[0], (N, IN_C), dtype=jnp.float32)
    inp["edge_index"] = jax.random.randint(ks[1], (2, E), 0, N)
    inp["edge_attr"] = jax.random.randint(ks[2], (E,), 0, NUM_REL)
    # RGCN (PyG-1.x style, basis decomposition) params for cheb_i (layer 0, K=1)
    inp["basis_i"] = jax.random.normal(ks[3], (NUM_BASES, IN_C, OUT_C * NUM_CHUNKS), dtype=jnp.float32) * 0.05
    inp["att_i"] = jax.random.normal(ks[4], (NUM_REL, NUM_BASES), dtype=jnp.float32) * 0.3
    inp["root_i"] = jax.random.normal(ks[5], (IN_C, OUT_C * NUM_CHUNKS), dtype=jnp.float32) * 0.05
    # params for cheb_h
    inp["basis_h"] = jax.random.normal(ks[6], (NUM_BASES, OUT_C, OUT_C * NUM_CHUNKS), dtype=jnp.float32) * 0.05
    inp["att_h"] = jax.random.normal(ks[7], (NUM_REL, NUM_BASES), dtype=jnp.float32) * 0.3
    inp["root_h"] = jax.random.normal(ks[8], (OUT_C, OUT_C * NUM_CHUNKS), dtype=jnp.float32) * 0.05
    # gate biases, initialized to ones per reset_parameters()
    inp["bias_f"] = jnp.ones((OUT_C,), dtype=jnp.float32)
    inp["bias_i"] = jnp.ones((OUT_C,), dtype=jnp.float32)
    inp["bias_c"] = jnp.ones((OUT_C,), dtype=jnp.float32)
    inp["bias_o"] = jnp.ones((OUT_C,), dtype=jnp.float32)
    return inp


def _rgcn(x, edge_index, edge_type, basis, att, root):
    # PyG 1.x RGCNConv with basis decomposition, aggr='mean', root weight, no bias.
    nr, nb = att.shape
    in_c = x.shape[1]
    out_c = root.shape[1]
    w = (att @ basis.reshape(nb, -1)).reshape(nr, in_c, out_c)
    # precompute x @ w_r for each relation (math-equivalent to per-edge bmm)
    xw = jnp.einsum('ni,rio->rno', x, w)  # [NR, N, out_c]
    src = edge_index[0]
    dst = edge_index[1]
    msg = xw[edge_type, src]  # gather: [E, out_c]
    agg_sum = jax.ops.segment_sum(msg, dst, num_segments=x.shape[0])
    cnt = jax.ops.segment_sum(jnp.ones((msg.shape[0],), x.dtype), dst, num_segments=x.shape[0])
    agg = agg_sum / jnp.maximum(cnt, 1.0)[:, None]  # mean aggregation
    return agg + x @ root


def reference(inputs, edge_index, edge_attr, basis_i, att_i, root_i, basis_h, att_h, root_h, bias_f, bias_i, bias_c, bias_o):
    h0 = jnp.zeros((inputs.shape[0], OUT_C), dtype=inputs.dtype)
    c0 = jnp.zeros((inputs.shape[0], OUT_C), dtype=inputs.dtype)
    gi = _rgcn(inputs, edge_index, edge_attr, basis_i, att_i, root_i)  # K=1, no relu
    gh = _rgcn(h0, edge_index, edge_attr, basis_h, att_h, root_h)
    i_f, i_i, i_c, i_o = jnp.split(gi, 4, axis=1)
    h_f, h_i, h_c, h_o = jnp.split(gh, 4, axis=1)
    forgetgate = jax.nn.sigmoid(i_f + h_f + bias_f)
    inputgate = jax.nn.sigmoid(i_i + h_i + bias_i)
    cellgate = jnp.tanh(i_c + h_c + bias_c)
    next_c = forgetgate * c0 + inputgate * cellgate
    outputgate = jax.nn.sigmoid(i_o + h_o + bias_o)
    next_h = outputgate * jnp.tanh(next_c)
    # module returns (output, next_hidden) where output is next_hidden;
    # dropout_type=None and global_fusion=False -> identity pass-through
    return (next_h, next_c)

if __name__ == "__main__":
    import jax
    _d = setup_inputs()
    print(jax.jit(kernel)(*tuple(_d.values())))

</pallas_src>

<mosaic_0001>
#map = affine_map<(d0, d1) -> (0, 0)>
#map1 = affine_map<(d0, d1) -> (0, 0, 0)>
module attributes {stable_mosaic.version = 14 : i64} {
  func.func @k(%arg0: i32, %arg1: i32, %arg2: memref<20000x64xf32, #tpu.memory_space<hbm>>, %arg3: memref<3x320640xi32, #tpu.memory_space<hbm>>, %arg4: memref<3x10000x128xf32, #tpu.memory_space<hbm>>, %arg5: memref<2x10240xf32, #tpu.memory_space<hbm>>, %arg6: memref<30048x64xf32, #tpu.memory_space<vmem_shared>>, %arg7: memref<10240xf32, #tpu.memory_space<vmem_shared>>, %arg8: memref<3x40xi32, #tpu.memory_space<vmem>>, %arg9: memref<3x40xi32, #tpu.memory_space<vmem>>, %arg10: memref<3x40xi32, #tpu.memory_space<vmem>>, %arg11: memref<40xi32, #tpu.memory_space<vmem>>, %arg12: memref<40xi32, #tpu.memory_space<vmem>>, %arg13: memref<40xi32, #tpu.memory_space<vmem>>, %arg14: memref<40xi32, #tpu.memory_space<vmem>>, %arg15: memref<40xi32, #tpu.memory_space<vmem>>, %arg16: memref<40xi32, #tpu.memory_space<vmem>>, %arg17: memref<40xi32, #tpu.memory_space<vmem>>, %arg18: memref<40xi32, #tpu.memory_space<vmem>>, %arg19: memref<40xi32, #tpu.memory_space<vmem>>, %arg20: memref<40x64xf32, #tpu.memory_space<vmem>>, %arg21: memref<40x64xf32, #tpu.memory_space<vmem>>, %arg22: memref<40x64xf32, #tpu.memory_space<vmem>>, %arg23: memref<40xf32, #tpu.memory_space<vmem>>, %arg24: memref<80xf32, #tpu.memory_space<vmem>>, %arg25: memref<16x64xf32, #tpu.memory_space<vmem>>, %arg26: memref<!tpu.dma_semaphore, #tpu.memory_space<semaphore_mem>>, %arg27: memref<!tpu.dma_semaphore, #tpu.memory_space<semaphore_mem>>, %arg28: memref<!tpu.dma_semaphore, #tpu.memory_space<semaphore_mem>>, %arg29: memref<!tpu.dma_semaphore, #tpu.memory_space<semaphore_mem>>, %arg30: memref<!tpu.dma_semaphore, #tpu.memory_space<semaphore_mem>>, %arg31: memref<!tpu.dma_semaphore, #tpu.memory_space<semaphore_mem>>, %arg32: memref<!tpu.dma_semaphore, #tpu.memory_space<semaphore_mem>>, %arg33: memref<!tpu.dma_semaphore, #tpu.memory_space<semaphore_mem>>, %arg34: memref<!tpu.dma_semaphore, #tpu.memory_space<semaphore_mem>>, %arg35: memref<!tpu.dma_semaphore, #tpu.memory_space<semaphore_mem>>, %arg36: memref<!tpu.dma_semaphore, #tpu.memory_space<semaphore_mem>>, %arg37: memref<!tpu.dma_semaphore, #tpu.memory_space<semaphore_mem>>, %arg38: memref<!tpu.dma_semaphore, #tpu.memory_space<semaphore_mem>>) attributes {dimension_semantics = [#tpu.dimension_semantics<core_parallel>, #tpu.dimension_semantics<subcore_parallel>], iteration_bounds = array<i64: 2, 16>, scalar_prefetch = 0 : i64, scratch_operands = 33 : i64, tpu.core_type = #tpu.core_type<sc_vector_subcore>, window_params = [{transform_indices = #map}, {transform_indices = #map}, {transform_indices = #map1}, {transform_indices = #map}]} {
    %broadcast_in_dim3A = arith.constant 0.000000e+00 : f32
    %broadcast_in_dim3A_0 = vector.broadcast %broadcast_in_dim3A : f32 to vector<16xf32>
    %broadcast_in_dim3A_1 = arith.constant 1.000000e+00 : f32
    %broadcast_in_dim3A_2 = vector.broadcast %broadcast_in_dim3A_1 : f32 to vector<16xf32>
    %scan3A = arith.constant 0 : i32
    %scan3A_3 = arith.constant 0 : i32
    %scan3A_4 = arith.constant 5 : i32
    %scan3A_5 = arith.addi %scan3A_3, %scan3A_4 : i32
    %scan3A_6 = arith.constant 1 : i32
    %scan3A_7 = scf.for %scan3A_315 = %scan3A_3 to %scan3A_5 step %scan3A_6 iter_args(%scan3A_316 = %scan3A) -> (i32)  : i32 {
      %mul3A_317 = arith.constant 16 : i32
      %mul3A_318 = arith.muli %scan3A_315, %mul3A_317 : i32
      %swap3A_319 = arith.index_cast %mul3A_318 : i32 to index
      %swap3A_320 = tpu.vector_load %arg24[%swap3A_319] {strides = array<i32>} : memref<80xf32, #tpu.memory_space<vmem>>, vector<16xf32>,
      %swap3A_321 = vector.shape_cast %swap3A_320 : vector<16xf32> to vector<16xf32>
      %swap3A_322 = vector.shape_cast %broadcast_in_dim3A_0 : vector<16xf32> to vector<16xf32>
      tpu.vector_store %arg24[%swap3A_319], %swap3A_322 {strides = array<i32>} : memref<80xf32, #tpu.memory_space<vmem>>, vector<16xf32>,
      %scan3A_323 = arith.constant 0 : i32
      scf.yield %scan3A_323 : i32
    }
    %scan3A_8 = arith.constant 5 : i32
    %scan3A_9 = arith.constant 0 : i32
    %scan3A_10 = arith.constant 0 : i32
    %scan3A_11 = arith.constant 64 : i32
    %scan3A_12 = arith.addi %scan3A_10, %scan3A_11 : i32
    %scan3A_13 = arith.constant 1 : i32
    %scan3A_14 = scf.for %scan3A_315 = %scan3A_10 to %scan3A_12 step %scan3A_13 iter_args(%scan3A_316 = %scan3A_9) -> (i32)  : i32 {
      %jit3A = arith.constant 4 : i32
      %div3A = arith.divsi %scan3A_315, %jit3A : i32
      %sign3A = arith.constant 0 : i32
      %sign3A_317 = arith.cmpi sgt, %scan3A_315, %sign3A : i32
      %sign3A_318 = arith.extui %sign3A_317 : i1 to i32
      %sign3A_319 = arith.constant 0 : i32
      %sign3A_320 = arith.cmpi slt, %scan3A_315, %sign3A_319 : i32
      %sign3A_321 = arith.extui %sign3A_320 : i1 to i32
      %sign3A_322 = arith.subi %sign3A_318, %sign3A_321 : i32
      %sign3A_323 = arith.constant 0 : i32
      %sign3A_324 = arith.cmpi sgt, %jit3A, %sign3A_323 : i32
      %sign3A_325 = arith.extui %sign3A_324 : i1 to i32
      %sign3A_326 = arith.constant 0 : i32
      %sign3A_327 = arith.cmpi slt, %jit3A, %sign3A_326 : i32
      %sign3A_328 = arith.extui %sign3A_327 : i1 to i32
      %sign3A_329 = arith.subi %sign3A_325, %sign3A_328 : i32
      %ne3A = arith.cmpi ne, %sign3A_322, %sign3A_329 : i32
      %rem3A = arith.remsi %scan3A_315, %jit3A : i32
      %ne3A_330 = arith.constant 0 : i32
      %ne3A_331 = arith.cmpi ne, %rem3A, %ne3A_330 : i32
      %and3A = arith.andi %ne3A, %ne3A_331 : i1
      %sub3A = arith.constant 1 : i32
      %sub3A_332 = arith.subi %div3A, %sub3A : i32
      %select_n3A = arith.select %and3A, %sub3A_332, %div3A : i32
      %jit3A_333 = arith.constant 4 : i32
      %eq3A_334 = arith.constant 0 : i32
      %eq3A_335 = arith.cmpi eq, %jit3A_333, %eq3A_334 : i32
      %jit3A_336 = arith.constant 1 : i32
      %select_n3A_337 = arith.select %eq3A_335, %jit3A_336, %jit3A_333 : i32
      %rem3A_338 = arith.remsi %scan3A_315, %select_n3A_337 : i32
      %ne3A_339 = arith.constant 0 : i32
      %ne3A_340 = arith.cmpi ne, %rem3A_338, %ne3A_339 : i32
      %lt3A_341 = arith.constant 0 : i32
      %lt3A_342 = arith.cmpi slt, %rem3A_338, %lt3A_341 : i32
      %lt3A_343 = arith.constant 0 : i32
      %lt3A_344 = arith.cmpi slt, %select_n3A_337, %lt3A_343 : i32
      %ne3A_345 = arith.xori %lt3A_342, %lt3A_344 : i1
      %and3A_346 = arith.andi %ne3A_345, %ne3A_340 : i1
      %add3A_347 = arith.addi %rem3A_338, %select_n3A_337 : i32
      %select_n3A_348 = arith.select %and3A_346, %add3A_347, %rem3A_338 : i32
      %mul3A_349 = arith.constant 16 : i32
      %mul3A_350 = arith.muli %select_n3A_348, %mul3A_349 : i32
      %swap3A_351 = arith.index_cast %select_n3A : i32 to index
      %swap3A_352 = arith.index_cast %mul3A_350 : i32 to index
      %swap3A_353 = tpu.vector_load %arg25[%swap3A_351, %swap3A_352] {strides = array<i32>} : memref<16x64xf32, #tpu.memory_space<vmem>>, vector<1x16xf32>,
      %swap3A_354 = vector.shape_cast %swap3A_353 : vector<1x16xf32> to vector<16xf32>
      %swap3A_355 = vector.shape_cast %broadcast_in_dim3A_0 : vector<16xf32> to vector<1x16xf32>
      tpu.vector_store %arg25[%swap3A_351, %swap3A_352], %swap3A_355 {strides = array<i32>} : memref<16x64xf32, #tpu.memory_space<vmem>>, vector<1x16xf32>,
      %scan3A_356 = arith.constant 0 : i32
      scf.yield %scan3A_356 : i32
    }
    %scan3A_15 = arith.constant 64 : i32
    %swap3A = arith.constant 0 : index
    %swap3A_16 = tpu.vector_load %arg23[%swap3A] {strides = array<i32>} : memref<40xf32, #tpu.memory_space<vmem>>, vector<16xf32>,
    %swap3A_17 = vector.shape_cast %swap3A_16 : vector<16xf32> to vector<16xf32>
    %swap3A_18 = vector.shape_cast %broadcast_in_dim3A_2 : vector<16xf32> to vector<16xf32>
    tpu.vector_store %arg23[%swap3A], %swap3A_18 {strides = array<i32>} : memref<40xf32, #tpu.memory_space<vmem>>, vector<16xf32>,
    %swap3A_19 = arith.constant 16 : index
    %swap3A_20 = tpu.vector_load %arg23[%swap3A_19] {strides = array<i32>} : memref<40xf32, #tpu.memory_space<vmem>>, vector<16xf32>,
    %swap3A_21 = vector.shape_cast %swap3A_20 : vector<16xf32> to vector<16xf32>
    %swap3A_22 = vector.shape_cast %broadcast_in_dim3A_2 : vector<16xf32> to vector<16xf32>
    tpu.vector_store %arg23[%swap3A_19], %swap3A_22 {strides = array<i32>} : memref<40xf32, #tpu.memory_space<vmem>>, vector<16xf32>,
    %swap3A_23 = arith.constant 24 : index
    %swap3A_24 = tpu.vector_load %arg23[%swap3A_23] {strides = array<i32>} : memref<40xf32, #tpu.memory_space<vmem>>, vector<16xf32>,
    %swap3A_25 = vector.shape_cast %swap3A_24 : vector<16xf32> to vector<16xf32>
    %swap3A_26 = vector.shape_cast %broadcast_in_dim3A_2 : vector<16xf32> to vector<16xf32>
    tpu.vector_store %arg23[%swap3A_23], %swap3A_26 {strides = array<i32>} : memref<40xf32, #tpu.memory_space<vmem>>, vector<16xf32>,
    %mul3A = arith.constant 624 : i32
    %mul3A_27 = arith.muli %arg1, %mul3A : i32
    %scan3A_28 = arith.constant 0 : i32
    %scan3A_29 = arith.constant 0 : i32
    %scan3A_30 = arith.constant 39 : i32
    %scan3A_31 = arith.addi %scan3A_29, %scan3A_30 : i32
    %scan3A_32 = arith.constant 1 : i32
    %scan3A_33 = scf.for %scan3A_315 = %scan3A_29 to %scan3A_31 step %scan3A_32 iter_args(%scan3A_316 = %scan3A_28) -> (i32)  : i32 {
      %add3A_317 = arith.constant 0 : i32
      %add3A_318 = arith.addi %add3A_317, %mul3A_27 : i32
      %mul3A_319 = arith.constant 16 : i32
      %mul3A_320 = arith.muli %scan3A_315, %mul3A_319 : i32
      %add3A_321 = arith.addi %add3A_318, %mul3A_320 : i32
      %dma_start3A_322 = arith.constant 0 : i32
      %dma_start3A_323 = tpu.memref_slice %arg6[%add3A_321, %dma_start3A_322] : memref<30048x64xf32, #tpu.memory_space<vmem_shared>> -> memref<16x64xf32, #tpu.memory_space<vmem_shared>>
      %dma_start3A_324 = arith.constant 0 : i32
      %dma_start3A_325 = tpu.memref_slice %arg6[%add3A_321, %dma_start3A_324] : memref<30048x64xf32, #tpu.memory_space<vmem_shared>> -> memref<16x64xf32, #tpu.memory_space<vmem_shared>>
      tpu.enqueue_dma source(%arg25 : memref<16x64xf32, #tpu.memory_space<vmem>>) target(%dma_start3A_325 : memref<16x64xf32, #tpu.memory_space<vmem_shared>>) target_semaphore(%arg38 : memref<!tpu.dma_semaphore, #tpu.memory_space<semaphore_mem>>)
      %scan3A_326 = arith.constant 0 : i32
      scf.yield %scan3A_326 : i32
    }
    %scan3A_34 = arith.constant 39 : i32
    %eq3A = arith.constant 15 : i32
    %eq3A_35 = arith.cmpi eq, %arg1, %eq3A : i32
    %convert_element_type3A = arith.extui %eq3A_35 : i1 to i32
    %cond3A = arith.constant 0 : i32
    %cond3A_36 = arith.cmpi ne, %convert_element_type3A, %cond3A : i32
    scf.if %cond3A_36 {
      %dma_start3A_315 = arith.constant 0 : i32
      %dma_start3A_316 = arith.constant 0 : i32
      %dma_start3A_317 = tpu.memref_slice %arg25[%dma_start3A_315, %dma_start3A_316] : memref<16x64xf32, #tpu.memory_space<vmem>> -> memref<16x64xf32, #tpu.memory_space<vmem>>
      %dma_start3A_318 = arith.constant 9984 : i32
      %dma_start3A_319 = arith.constant 0 : i32
      %dma_start3A_320 = tpu.memref_slice %arg6[%dma_start3A_318, %dma_start3A_319] : memref<30048x64xf32, #tpu.memory_space<vmem_shared>> -> memref<16x64xf32, #tpu.memory_space<vmem_shared>>
      %dma_start3A_321 = arith.constant 9984 : i32
      %dma_start3A_322 = arith.constant 0 : i32
      %dma_start3A_323 = tpu.memref_slice %arg6[%dma_start3A_321, %dma_start3A_322] : memref<30048x64xf32, #tpu.memory_space<vmem_shared>> -> memref<16x64xf32, #tpu.memory_space<vmem_shared>>
      %dma_start3A_324 = arith.constant 0 : i32
      %dma_start3A_325 = arith.constant 0 : i32
      %dma_start3A_326 = tpu.memref_slice %arg25[%dma_start3A_324, %dma_start3A_325] : memref<16x64xf32, #tpu.memory_space<vmem>> -> memref<16x64xf32, #tpu.memory_space<vmem>>
      tpu.enqueue_dma source(%dma_start3A_326 : memref<16x64xf32, #tpu.memory_space<vmem>>) target(%dma_start3A_323 : memref<16x64xf32, #tpu.memory_space<vmem_shared>>) target_semaphore(%arg38 : memref<!tpu.dma_semaphore, #tpu.memory_space<semaphore_mem>>)
    } else {
    }
    %scan3A_37 = arith.constant 0 : i32
    %scan3A_38 = arith.constant 0 : i32
    %scan3A_39 = arith.constant 39 : i32
    %scan3A_40 = arith.addi %scan3A_38, %scan3A_39 : i32
    %scan3A_41 = arith.constant 1 : i32
    %scan3A_42 = scf.for %scan3A_315 = %scan3A_38 to %scan3A_40 step %scan3A_41 iter_args(%scan3A_316 = %scan3A_37) -> (i32)  : i32 {
      %add3A_317 = arith.constant 10000 : i32
      %add3A_318 = arith.addi %add3A_317, %mul3A_27 : i32
      %mul3A_319 = arith.constant 16 : i32
      %mul3A_320 = arith.muli %scan3A_315, %mul3A_319 : i32
      %add3A_321 = arith.addi %add3A_318, %mul3A_320 : i32
      %dma_start3A_322 = arith.constant 0 : i32
      %dma_start3A_323 = tpu.memref_slice %arg6[%add3A_321, %dma_start3A_322] : memref<30048x64xf32, #tpu.memory_space<vmem_shared>> -> memref<16x64xf32, #tpu.memory_space<vmem_shared>>
      %dma_start3A_324 = arith.constant 0 : i32
      %dma_start3A_325 = tpu.memref_slice %arg6[%add3A_321, %dma_start3A_324] : memref<30048x64xf32, #tpu.memory_space<vmem_shared>> -> memref<16x64xf32, #tpu.memory_space<vmem_shared>>
      tpu.enqueue_dma source(%arg25 : memref<16x64xf32, #tpu.memory_space<vmem>>) target(%dma_start3A_325 : memref<16x64xf32, #tpu.memory_space<vmem_shared>>) target_semaphore(%arg38 : memref<!tpu.dma_semaphore, #tpu.memory_space<semaphore_mem>>)
      %scan3A_326 = arith.constant 0 : i32
      scf.yield %scan3A_326 : i32
    }
    %scan3A_43 = arith.constant 39 : i32
    %eq3A_44 = arith.constant 15 : i32
    %eq3A_45 = arith.cmpi eq, %arg1, %eq3A_44 : i32
    %convert_element_type3A_46 = arith.extui %eq3A_45 : i1 to i32
    %cond3A_47 = arith.constant 0 : i32
    %cond3A_48 = arith.cmpi ne, %convert_element_type3A_46, %cond3A_47 : i32
    scf.if %cond3A_48 {
      %dma_start3A_315 = arith.constant 0 : i32
      %dma_start3A_316 = arith.constant 0 : i32
      %dma_start3A_317 = tpu.memref_slice %arg25[%dma_start3A_315, %dma_start3A_316] : memref<16x64xf32, #tpu.memory_space<vmem>> -> memref<16x64xf32, #tpu.memory_space<vmem>>
      %dma_start3A_318 = arith.constant 19984 : i32
      %dma_start3A_319 = arith.constant 0 : i32
      %dma_start3A_320 = tpu.memref_slice %arg6[%dma_start3A_318, %dma_start3A_319] : memref<30048x64xf32, #tpu.memory_space<vmem_shared>> -> memref<16x64xf32, #tpu.memory_space<vmem_shared>>
      %dma_start3A_321 = arith.constant 19984 : i32
      %dma_start3A_322 = arith.constant 0 : i32
      %dma_start3A_323 = tpu.memref_slice %arg6[%dma_start3A_321, %dma_start3A_322] : memref<30048x64xf32, #tpu.memory_space<vmem_shared>> -> memref<16x64xf32, #tpu.memory_space<vmem_shared>>
      %dma_start3A_324 = arith.constant 0 : i32
      %dma_start3A_325 = arith.constant 0 : i32
      %dma_start3A_326 = tpu.memref_slice %arg25[%dma_start3A_324, %dma_start3A_325] : memref<16x64xf32, #tpu.memory_space<vmem>> -> memref<16x64xf32, #tpu.memory_space<vmem>>
      tpu.enqueue_dma source(%dma_start3A_326 : memref<16x64xf32, #tpu.memory_space<vmem>>) target(%dma_start3A_323 : memref<16x64xf32, #tpu.memory_space<vmem_shared>>) target_semaphore(%arg38 : memref<!tpu.dma_semaphore, #tpu.memory_space<semaphore_mem>>)
    } else {
    }
    %scan3A_49 = arith.constant 0 : i32
    %scan3A_50 = arith.constant 0 : i32
    %scan3A_51 = arith.constant 39 : i32
    %scan3A_52 = arith.addi %scan3A_50, %scan3A_51 : i32
    %scan3A_53 = arith.constant 1 : i32
    %scan3A_54 = scf.for %scan3A_315 = %scan3A_50 to %scan3A_52 step %scan3A_53 iter_args(%scan3A_316 = %scan3A_49) -> (i32)  : i32 {
      %add3A_317 = arith.constant 20000 : i32
      %add3A_318 = arith.addi %add3A_317, %mul3A_27 : i32
      %mul3A_319 = arith.constant 16 : i32
      %mul3A_320 = arith.muli %scan3A_315, %mul3A_319 : i32
      %add3A_321 = arith.addi %add3A_318, %mul3A_320 : i32
      %dma_start3A_322 = arith.constant 0 : i32
      %dma_start3A_323 = tpu.memref_slice %arg6[%add3A_321, %dma_start3A_322] : memref<30048x64xf32, #tpu.memory_space<vmem_shared>> -> memref<16x64xf32, #tpu.memory_space<vmem_shared>>
      %dma_start3A_324 = arith.constant 0 : i32
      %dma_start3A_325 = tpu.memref_slice %arg6[%add3A_321, %dma_start3A_324] : memref<30048x64xf32, #tpu.memory_space<vmem_shared>> -> memref<16x64xf32, #tpu.memory_space<vmem_shared>>
      tpu.enqueue_dma source(%arg25 : memref<16x64xf32, #tpu.memory_space<vmem>>) target(%dma_start3A_325 : memref<16x64xf32, #tpu.memory_space<vmem_shared>>) target_semaphore(%arg38 : memref<!tpu.dma_semaphore, #tpu.memory_space<semaphore_mem>>)
      %scan3A_326 = arith.constant 0 : i32
      scf.yield %scan3A_326 : i32
    }
    %scan3A_55 = arith.constant 39 : i32
    %eq3A_56 = arith.constant 15 : i32
    %eq3A_57 = arith.cmpi eq, %arg1, %eq3A_56 : i32
    %convert_element_type3A_58 = arith.extui %eq3A_57 : i1 to i32
    %cond3A_59 = arith.constant 0 : i32
    %cond3A_60 = arith.cmpi ne, %convert_element_type3A_58, %cond3A_59 : i32
    scf.if %cond3A_60 {
      %dma_start3A_315 = arith.constant 0 : i32
      %dma_start3A_316 = arith.constant 0 : i32
      %dma_start3A_317 = tpu.memref_slice %arg25[%dma_start3A_315, %dma_start3A_316] : memref<16x64xf32, #tpu.memory_space<vmem>> -> memref<16x64xf32, #tpu.memory_space<vmem>>
      %dma_start3A_318 = arith.constant 29984 : i32
      %dma_start3A_319 = arith.constant 0 : i32
      %dma_start3A_320 = tpu.memref_slice %arg6[%dma_start3A_318, %dma_start3A_319] : memref<30048x64xf32, #tpu.memory_space<vmem_shared>> -> memref<16x64xf32, #tpu.memory_space<vmem_shared>>
      %dma_start3A_321 = arith.constant 29984 : i32
      %dma_start3A_322 = arith.constant 0 : i32
      %dma_start3A_323 = tpu.memref_slice %arg6[%dma_start3A_321, %dma_start3A_322] : memref<30048x64xf32, #tpu.memory_space<vmem_shared>> -> memref<16x64xf32, #tpu.memory_space<vmem_shared>>
      %dma_start3A_324 = arith.constant 0 : i32
      %dma_start3A_325 = arith.constant 0 : i32
      %dma_start3A_326 = tpu.memref_slice %arg25[%dma_start3A_324, %dma_start3A_325] : memref<16x64xf32, #tpu.memory_space<vmem>> -> memref<16x64xf32, #tpu.memory_space<vmem>>
      tpu.enqueue_dma source(%dma_start3A_326 : memref<16x64xf32, #tpu.memory_space<vmem>>) target(%dma_start3A_323 : memref<16x64xf32, #tpu.memory_space<vmem_shared>>) target_semaphore(%arg38 : memref<!tpu.dma_semaphore, #tpu.memory_space<semaphore_mem>>)
    } else {
    }
    %mul3A_61 = arith.constant 640 : i32
    %mul3A_62 = arith.muli %arg1, %mul3A_61 : i32
    %add3A = arith.constant 0 : i32
    %add3A_63 = arith.addi %mul3A_62, %add3A : i32
    %dma_start3A = tpu.memref_slice %arg7[%add3A_63] : memref<10240xf32, #tpu.memory_space<vmem_shared>> -> memref<80xf32, #tpu.memory_space<vmem_shared>>
    %dma_start3A_64 = tpu.memref_slice %arg7[%add3A_63] : memref<10240xf32, #tpu.memory_space<vmem_shared>> -> memref<80xf32, #tpu.memory_space<vmem_shared>>
    tpu.enqueue_dma source(%arg24 : memref<80xf32, #tpu.memory_space<vmem>>) target(%dma_start3A_64 : memref<80xf32, #tpu.memory_space<vmem_shared>>) target_semaphore(%arg38 : memref<!tpu.dma_semaphore, #tpu.memory_space<semaphore_mem>>)
    %mul3A_65 = arith.constant 640 : i32
    %mul3A_66 = arith.muli %arg1, %mul3A_65 : i32
    %add3A_67 = arith.constant 80 : i32
    %add3A_68 = arith.addi %mul3A_66, %add3A_67 : i32
    %dma_start3A_69 = tpu.memref_slice %arg7[%add3A_68] : memref<10240xf32, #tpu.memory_space<vmem_shared>> -> memref<80xf32, #tpu.memory_space<vmem_shared>>
    %dma_start3A_70 = tpu.memref_slice %arg7[%add3A_68] : memref<10240xf32, #tpu.memory_space<vmem_shared>> -> memref<80xf32, #tpu.memory_space<vmem_shared>>
    tpu.enqueue_dma source(%arg24 : memref<80xf32, #tpu.memory_space<vmem>>) target(%dma_start3A_70 : memref<80xf32, #tpu.memory_space<vmem_shared>>) target_semaphore(%arg38 : memref<!tpu.dma_semaphore, #tpu.memory_space<semaphore_mem>>)
    %mul3A_71 = arith.constant 640 : i32
    %mul3A_72 = arith.muli %arg1, %mul3A_71 : i32
    %add3A_73 = arith.constant 160 : i32
    %add3A_74 = arith.addi %mul3A_72, %add3A_73 : i32
    %dma_start3A_75 = tpu.memref_slice %arg7[%add3A_74] : memref<10240xf32, #tpu.memory_space<vmem_shared>> -> memref<80xf32, #tpu.memory_space<vmem_shared>>
    %dma_start3A_76 = tpu.memref_slice %arg7[%add3A_74] : memref<10240xf32, #tpu.memory_space<vmem_shared>> -> memref<80xf32, #tpu.memory_space<vmem_shared>>
    tpu.enqueue_dma source(%arg24 : memref<80xf32, #tpu.memory_space<vmem>>) target(%dma_start3A_76 : memref<80xf32, #tpu.memory_space<vmem_shared>>) target_semaphore(%arg38 : memref<!tpu.dma_semaphore, #tpu.memory_space<semaphore_mem>>)
    %mul3A_77 = arith.constant 640 : i32
    %mul3A_78 = arith.muli %arg1, %mul3A_77 : i32
    %add3A_79 = arith.constant 240 : i32
    %add3A_80 = arith.addi %mul3A_78, %add3A_79 : i32
    %dma_start3A_81 = tpu.memref_slice %arg7[%add3A_80] : memref<10240xf32, #tpu.memory_space<vmem_shared>> -> memref<80xf32, #tpu.memory_space<vmem_shared>>
    %dma_start3A_82 = tpu.memref_slice %arg7[%add3A_80] : memref<10240xf32, #tpu.memory_space<vmem_shared>> -> memref<80xf32, #tpu.memory_space<vmem_shared>>
    tpu.enqueue_dma source(%arg24 : memref<80xf32, #tpu.memory_space<vmem>>) target(%dma_start3A_82 : memref<80xf32, #tpu.memory_space<vmem_shared>>) target_semaphore(%arg38 : memref<!tpu.dma_semaphore, #tpu.memory_space<semaphore_mem>>)
    %mul3A_83 = arith.constant 640 : i32
    %mul3A_84 = arith.muli %arg1, %mul3A_83 : i32
    %add3A_85 = arith.constant 320 : i32
    %add3A_86 = arith.addi %mul3A_84, %add3A_85 : i32
    %dma_start3A_87 = tpu.memref_slice %arg7[%add3A_86] : memref<10240xf32, #tpu.memory_space<vmem_shared>> -> memref<80xf32, #tpu.memory_space<vmem_shared>>
    %dma_start3A_88 = tpu.memref_slice %arg7[%add3A_86] : memref<10240xf32, #tpu.memory_space<vmem_shared>> -> memref<80xf32, #tpu.memory_space<vmem_shared>>
    tpu.enqueue_dma source(%arg24 : memref<80xf32, #tpu.memory_space<vmem>>) target(%dma_start3A_88 : memref<80xf32, #tpu.memory_space<vmem_shared>>) target_semaphore(%arg38 : memref<!tpu.dma_semaphore, #tpu.memory_space<semaphore_mem>>)
    %mul3A_89 = arith.constant 640 : i32
    %mul3A_90 = arith.muli %arg1, %mul3A_89 : i32
    %add3A_91 = arith.constant 400 : i32
    %add3A_92 = arith.addi %mul3A_90, %add3A_91 : i32
    %dma_start3A_93 = tpu.memref_slice %arg7[%add3A_92] : memref<10240xf32, #tpu.memory_space<vmem_shared>> -> memref<80xf32, #tpu.memory_space<vmem_shared>>
    %dma_start3A_94 = tpu.memref_slice %arg7[%add3A_92] : memref<10240xf32, #tpu.memory_space<vmem_shared>> -> memref<80xf32, #tpu.memory_space<vmem_shared>>
    tpu.enqueue_dma source(%arg24 : memref<80xf32, #tpu.memory_space<vmem>>) target(%dma_start3A_94 : memref<80xf32, #tpu.memory_space<vmem_shared>>) target_semaphore(%arg38 : memref<!tpu.dma_semaphore, #tpu.memory_space<semaphore_mem>>)
    %mul3A_95 = arith.constant 640 : i32
    %mul3A_96 = arith.muli %arg1, %mul3A_95 : i32
    %add3A_97 = arith.constant 480 : i32
    %add3A_98 = arith.addi %mul3A_96, %add3A_97 : i32
    %dma_start3A_99 = tpu.memref_slice %arg7[%add3A_98] : memref<10240xf32, #tpu.memory_space<vmem_shared>> -> memref<80xf32, #tpu.memory_space<vmem_shared>>
    %dma_start3A_100 = tpu.memref_slice %arg7[%add3A_98] : memref<10240xf32, #tpu.memory_space<vmem_shared>> -> memref<80xf32, #tpu.memory_space<vmem_shared>>
    tpu.enqueue_dma source(%arg24 : memref<80xf32, #tpu.memory_space<vmem>>) target(%dma_start3A_100 : memref<80xf32, #tpu.memory_space<vmem_shared>>) target_semaphore(%arg38 : memref<!tpu.dma_semaphore, #tpu.memory_space<semaphore_mem>>)
    %mul3A_101 = arith.constant 640 : i32
    %mul3A_102 = arith.muli %arg1, %mul3A_101 : i32
    %add3A_103 = arith.constant 560 : i32
    %add3A_104 = arith.addi %mul3A_102, %add3A_103 : i32
    %dma_start3A_105 = tpu.memref_slice %arg7[%add3A_104] : memref<10240xf32, #tpu.memory_space<vmem_shared>> -> memref<80xf32, #tpu.memory_space<vmem_shared>>
    %dma_start3A_106 = tpu.memref_slice %arg7[%add3A_104] : memref<10240xf32, #tpu.memory_space<vmem_shared>> -> memref<80xf32, #tpu.memory_space<vmem_shared>>
    tpu.enqueue_dma source(%arg24 : memref<80xf32, #tpu.memory_space<vmem>>) target(%dma_start3A_106 : memref<80xf32, #tpu.memory_space<vmem_shared>>) target_semaphore(%arg38 : memref<!tpu.dma_semaphore, #tpu.memory_space<semaphore_mem>>)
    %scan3A_107 = arith.constant 0 : i32
    %scan3A_108 = arith.constant 0 : i32
    %scan3A_109 = arith.constant 39 : i32
    %scan3A_110 = arith.addi %scan3A_108, %scan3A_109 : i32
    %scan3A_111 = arith.constant 1 : i32
    %scan3A_112 = scf.for %scan3A_315 = %scan3A_108 to %scan3A_110 step %scan3A_111 iter_args(%scan3A_316 = %scan3A_107) -> (i32)  : i32 {
      %add3A_317 = arith.constant 0 : i32
      %add3A_318 = arith.addi %add3A_317, %mul3A_27 : i32
      %mul3A_319 = arith.constant 16 : i32
      %mul3A_320 = arith.muli %scan3A_315, %mul3A_319 : i32
      %add3A_321 = arith.addi %add3A_318, %mul3A_320 : i32
      %dma_wait3A_322 = arith.constant 0 : i32
      %dma_wait3A_323 = tpu.memref_slice %arg6[%add3A_321, %dma_wait3A_322] : memref<30048x64xf32, #tpu.memory_space<vmem_shared>> -> memref<16x64xf32, #tpu.memory_space<vmem_shared>>
      %dma_wait3A_324 = arith.constant 0 : i32
      %dma_wait3A_325 = tpu.memref_slice %arg6[%add3A_321, %dma_wait3A_324] : memref<30048x64xf32, #tpu.memory_space<vmem_shared>> -> memref<16x64xf32, #tpu.memory_space<vmem_shared>>
      tpu.wait_dma2 semaphore(%arg38 : memref<!tpu.dma_semaphore, #tpu.memory_space<semaphore_mem>>) src(%arg25 : memref<16x64xf32, #tpu.memory_space<vmem>>) dst(%dma_wait3A_325 : memref<16x64xf32, #tpu.memory_space<vmem_shared>>)
      %scan3A_326 = arith.constant 0 : i32
      scf.yield %scan3A_326 : i32
    }
    %scan3A_113 = arith.constant 39 : i32
    %eq3A_114 = arith.constant 15 : i32
    %eq3A_115 = arith.cmpi eq, %arg1, %eq3A_114 : i32
    %convert_element_type3A_116 = arith.extui %eq3A_115 : i1 to i32
    %cond3A_117 = arith.constant 0 : i32
    %cond3A_118 = arith.cmpi ne, %convert_element_type3A_116, %cond3A_117 : i32
    scf.if %cond3A_118 {
      %dma_wait3A_315 = arith.constant 0 : i32
      %dma_wait3A_316 = arith.constant 0 : i32
      %dma_wait3A_317 = tpu.memref_slice %arg25[%dma_wait3A_315, %dma_wait3A_316] : memref<16x64xf32, #tpu.memory_space<vmem>> -> memref<16x64xf32, #tpu.memory_space<vmem>>
      %dma_wait3A_318 = arith.constant 9984 : i32
      %dma_wait3A_319 = arith.constant 0 : i32
      %dma_wait3A_320 = tpu.memref_slice %arg6[%dma_wait3A_318, %dma_wait3A_319] : memref<30048x64xf32, #tpu.memory_space<vmem_shared>> -> memref<16x64xf32, #tpu.memory_space<vmem_shared>>
      %dma_wait3A_321 = arith.constant 9984 : i32
      %dma_wait3A_322 = arith.constant 0 : i32
      %dma_wait3A_323 = tpu.memref_slice %arg6[%dma_wait3A_321, %dma_wait3A_322] : memref<30048x64xf32, #tpu.memory_space<vmem_shared>> -> memref<16x64xf32, #tpu.memory_space<vmem_shared>>
      %dma_wait3A_324 = arith.constant 0 : i32
      %dma_wait3A_325 = arith.constant 0 : i32
      %dma_wait3A_326 = tpu.memref_slice %arg25[%dma_wait3A_324, %dma_wait3A_325] : memref<16x64xf32, #tpu.memory_space<vmem>> -> memref<16x64xf32, #tpu.memory_space<vmem>>
      tpu.wait_dma2 semaphore(%arg38 : memref<!tpu.dma_semaphore, #tpu.memory_space<semaphore_mem>>) src(%dma_wait3A_326 : memref<16x64xf32, #tpu.memory_space<vmem>>) dst(%dma_wait3A_323 : memref<16x64xf32, #tpu.memory_space<vmem_shared>>)
    } else {
    }
    %scan3A_119 = arith.constant 0 : i32
    %scan3A_120 = arith.constant 0 : i32
    %scan3A_121 = arith.constant 39 : i32
    %scan3A_122 = arith.addi %scan3A_120, %scan3A_121 : i32
    %scan3A_123 = arith.constant 1 : i32
    %scan3A_124 = scf.for %scan3A_315 = %scan3A_120 to %scan3A_122 step %scan3A_123 iter_args(%scan3A_316 = %scan3A_119) -> (i32)  : i32 {
      %add3A_317 = arith.constant 10000 : i32
      %add3A_318 = arith.addi %add3A_317, %mul3A_27 : i32
      %mul3A_319 = arith.constant 16 : i32
      %mul3A_320 = arith.muli %scan3A_315, %mul3A_319 : i32
      %add3A_321 = arith.addi %add3A_318, %mul3A_320 : i32
      %dma_wait3A_322 = arith.constant 0 : i32
      %dma_wait3A_323 = tpu.memref_slice %arg6[%add3A_321, %dma_wait3A_322] : memref<30048x64xf32, #tpu.memory_space<vmem_shared>> -> memref<16x64xf32, #tpu.memory_space<vmem_shared>>
      %dma_wait3A_324 = arith.constant 0 : i32
      %dma_wait3A_325 = tpu.memref_slice %arg6[%add3A_321, %dma_wait3A_324] : memref<30048x64xf32, #tpu.memory_space<vmem_shared>> -> memref<16x64xf32, #tpu.memory_space<vmem_shared>>
      tpu.wait_dma2 semaphore(%arg38 : memref<!tpu.dma_semaphore, #tpu.memory_space<semaphore_mem>>) src(%arg25 : memref<16x64xf32, #tpu.memory_space<vmem>>) dst(%dma_wait3A_325 : memref<16x64xf32, #tpu.memory_space<vmem_shared>>)
      %scan3A_326 = arith.constant 0 : i32
      scf.yield %scan3A_326 : i32
    }
    %scan3A_125 = arith.constant 39 : i32
    %eq3A_126 = arith.constant 15 : i32
    %eq3A_127 = arith.cmpi eq, %arg1, %eq3A_126 : i32
    %convert_element_type3A_128 = arith.extui %eq3A_127 : i1 to i32
    %cond3A_129 = arith.constant 0 : i32
    %cond3A_130 = arith.cmpi ne, %convert_element_type3A_128, %cond3A_129 : i32
    scf.if %cond3A_130 {
      %dma_wait3A_315 = arith.constant 0 : i32
      %dma_wait3A_316 = arith.constant 0 : i32
      %dma_wait3A_317 = tpu.memref_slice %arg25[%dma_wait3A_315, %dma_wait3A_316] : memref<16x64xf32, #tpu.memory_space<vmem>> -> memref<16x64xf32, #tpu.memory_space<vmem>>
      %dma_wait3A_318 = arith.constant 19984 : i32
      %dma_wait3A_319 = arith.constant 0 : i32
      %dma_wait3A_320 = tpu.memref_slice %arg6[%dma_wait3A_318, %dma_wait3A_319] : memref<30048x64xf32, #tpu.memory_space<vmem_shared>> -> memref<16x64xf32, #tpu.memory_space<vmem_shared>>
      %dma_wait3A_321 = arith.constant 19984 : i32
      %dma_wait3A_322 = arith.constant 0 : i32
      %dma_wait3A_323 = tpu.memref_slice %arg6[%dma_wait3A_321, %dma_wait3A_322] : memref<30048x64xf32, #tpu.memory_space<vmem_shared>> -> memref<16x64xf32, #tpu.memory_space<vmem_shared>>
      %dma_wait3A_324 = arith.constant 0 : i32
      %dma_wait3A_325 = arith.constant 0 : i32
      %dma_wait3A_326 = tpu.memref_slice %arg25[%dma_wait3A_324, %dma_wait3A_325] : memref<16x64xf32, #tpu.memory_space<vmem>> -> memref<16x64xf32, #tpu.memory_space<vmem>>
      tpu.wait_dma2 semaphore(%arg38 : memref<!tpu.dma_semaphore, #tpu.memory_space<semaphore_mem>>) src(%dma_wait3A_326 : memref<16x64xf32, #tpu.memory_space<vmem>>) dst(%dma_wait3A_323 : memref<16x64xf32, #tpu.memory_space<vmem_shared>>)
    } else {
    }
    %scan3A_131 = arith.constant 0 : i32
    %scan3A_132 = arith.constant 0 : i32
    %scan3A_133 = arith.constant 39 : i32
    %scan3A_134 = arith.addi %scan3A_132, %scan3A_133 : i32
    %scan3A_135 = arith.constant 1 : i32
    %scan3A_136 = scf.for %scan3A_315 = %scan3A_132 to %scan3A_134 step %scan3A_135 iter_args(%scan3A_316 = %scan3A_131) -> (i32)  : i32 {
      %add3A_317 = arith.constant 20000 : i32
      %add3A_318 = arith.addi %add3A_317, %mul3A_27 : i32
      %mul3A_319 = arith.constant 16 : i32
      %mul3A_320 = arith.muli %scan3A_315, %mul3A_319 : i32
      %add3A_321 = arith.addi %add3A_318, %mul3A_320 : i32
      %dma_wait3A_322 = arith.constant 0 : i32
      %dma_wait3A_323 = tpu.memref_slice %arg6[%add3A_321, %dma_wait3A_322] : memref<30048x64xf32, #tpu.memory_space<vmem_shared>> -> memref<16x64xf32, #tpu.memory_space<vmem_shared>>
      %dma_wait3A_324 = arith.constant 0 : i32
      %dma_wait3A_325 = tpu.memref_slice %arg6[%add3A_321, %dma_wait3A_324] : memref<30048x64xf32, #tpu.memory_space<vmem_shared>> -> memref<16x64xf32, #tpu.memory_space<vmem_shared>>
      tpu.wait_dma2 semaphore(%arg38 : memref<!tpu.dma_semaphore, #tpu.memory_space<semaphore_mem>>) src(%arg25 : memref<16x64xf32, #tpu.memory_space<vmem>>) dst(%dma_wait3A_325 : memref<16x64xf32, #tpu.memory_space<vmem_shared>>)
      %scan3A_326 = arith.constant 0 : i32
      scf.yield %scan3A_326 : i32
    }
    %scan3A_137 = arith.constant 39 : i32
    %eq3A_138 = arith.constant 15 : i32
    %eq3A_139 = arith.cmpi eq, %arg1, %eq3A_138 : i32
    %convert_element_type3A_140 = arith.extui %eq3A_139 : i1 to i32
    %cond3A_141 = arith.constant 0 : i32
    %cond3A_142 = arith.cmpi ne, %convert_element_type3A_140, %cond3A_141 : i32
    scf.if %cond3A_142 {
      %dma_wait3A_315 = arith.constant 0 : i32
      %dma_wait3A_316 = arith.constant 0 : i32
      %dma_wait3A_317 = tpu.memref_slice %arg25[%dma_wait3A_315, %dma_wait3A_316] : memref<16x64xf32, #tpu.memory_space<vmem>> -> memref<16x64xf32, #tpu.memory_space<vmem>>
      %dma_wait3A_318 = arith.constant 29984 : i32
      %dma_wait3A_319 = arith.constant 0 : i32
      %dma_wait3A_320 = tpu.memref_slice %arg6[%dma_wait3A_318, %dma_wait3A_319] : memref<30048x64xf32, #tpu.memory_space<vmem_shared>> -> memref<16x64xf32, #tpu.memory_space<vmem_shared>>
      %dma_wait3A_321 = arith.constant 29984 : i32
      %dma_wait3A_322 = arith.constant 0 : i32
      %dma_wait3A_323 = tpu.memref_slice %arg6[%dma_wait3A_321, %dma_wait3A_322] : memref<30048x64xf32, #tpu.memory_space<vmem_shared>> -> memref<16x64xf32, #tpu.memory_space<vmem_shared>>
      %dma_wait3A_324 = arith.constant 0 : i32
      %dma_wait3A_325 = arith.constant 0 : i32
      %dma_wait3A_326 = tpu.memref_slice %arg25[%dma_wait3A_324, %dma_wait3A_325] : memref<16x64xf32, #tpu.memory_space<vmem>> -> memref<16x64xf32, #tpu.memory_space<vmem>>
      tpu.wait_dma2 semaphore(%arg38 : memref<!tpu.dma_semaphore, #tpu.memory_space<semaphore_mem>>) src(%dma_wait3A_326 : memref<16x64xf32, #tpu.memory_space<vmem>>) dst(%dma_wait3A_323 : memref<16x64xf32, #tpu.memory_space<vmem_shared>>)
    } else {
    }
    %mul3A_143 = arith.constant 640 : i32
    %mul3A_144 = arith.muli %arg1, %mul3A_143 : i32
    %add3A_145 = arith.constant 0 : i32
    %add3A_146 = arith.addi %mul3A_144, %add3A_145 : i32
    %dma_wait3A = tpu.memref_slice %arg7[%add3A_146] : memref<10240xf32, #tpu.memory_space<vmem_shared>> -> memref<80xf32, #tpu.memory_space<vmem_shared>>
    %dma_wait3A_147 = tpu.memref_slice %arg7[%add3A_146] : memref<10240xf32, #tpu.memory_space<vmem_shared>> -> memref<80xf32, #tpu.memory_space<vmem_shared>>
    tpu.wait_dma2 semaphore(%arg38 : memref<!tpu.dma_semaphore, #tpu.memory_space<semaphore_mem>>) src(%arg24 : memref<80xf32, #tpu.memory_space<vmem>>) dst(%dma_wait3A_147 : memref<80xf32, #tpu.memory_space<vmem_shared>>)
    %mul3A_148 = arith.constant 640 : i32
    %mul3A_149 = arith.muli %arg1, %mul3A_148 : i32
    %add3A_150 = arith.constant 80 : i32
    %add3A_151 = arith.addi %mul3A_149, %add3A_150 : i32
    %dma_wait3A_152 = tpu.memref_slice %arg7[%add3A_151] : memref<10240xf32, #tpu.memory_space<vmem_shared>> -> memref<80xf32, #tpu.memory_space<vmem_shared>>
    %dma_wait3A_153 = tpu.memref_slice %arg7[%add3A_151] : memref<10240xf32, #tpu.memory_space<vmem_shared>> -> memref<80xf32, #tpu.memory_space<vmem_shared>>
    tpu.wait_dma2 semaphore(%arg38 : memref<!tpu.dma_semaphore, #tpu.memory_space<semaphore_mem>>) src(%arg24 : memref<80xf32, #tpu.memory_space<vmem>>) dst(%dma_wait3A_153 : memref<80xf32, #tpu.memory_space<vmem_shared>>)
    %mul3A_154 = arith.constant 640 : i32
    %mul3A_155 = arith.muli %arg1, %mul3A_154 : i32
    %add3A_156 = arith.constant 160 : i32
    %add3A_157 = arith.addi %mul3A_155, %add3A_156 : i32
    %dma_wait3A_158 = tpu.memref_slice %arg7[%add3A_157] : memref<10240xf32, #tpu.memory_space<vmem_shared>> -> memref<80xf32, #tpu.memory_space<vmem_shared>>
    %dma_wait3A_159 = tpu.memref_slice %arg7[%add3A_157] : memref<10240xf32, #tpu.memory_space<vmem_shared>> -> memref<80xf32, #tpu.memory_space<vmem_shared>>
    tpu.wait_dma2 semaphore(%arg38 : memref<!tpu.dma_semaphore, #tpu.memory_space<semaphore_mem>>) src(%arg24 : memref<80xf32, #tpu.memory_space<vmem>>) dst(%dma_wait3A_159 : memref<80xf32, #tpu.memory_space<vmem_shared>>)
    %mul3A_160 = arith.constant 640 : i32
    %mul3A_161 = arith.muli %arg1, %mul3A_160 : i32
    %add3A_162 = arith.constant 240 : i32
    %add3A_163 = arith.addi %mul3A_161, %add3A_162 : i32
    %dma_wait3A_164 = tpu.memref_slice %arg7[%add3A_163] : memref<10240xf32, #tpu.memory_space<vmem_shared>> -> memref<80xf32, #tpu.memory_space<vmem_shared>>
    %dma_wait3A_165 = tpu.memref_slice %arg7[%add3A_163] : memref<10240xf32, #tpu.memory_space<vmem_shared>> -> memref<80xf32, #tpu.memory_space<vmem_shared>>
    tpu.wait_dma2 semaphore(%arg38 : memref<!tpu.dma_semaphore, #tpu.memory_space<semaphore_mem>>) src(%arg24 : memref<80xf32, #tpu.memory_space<vmem>>) dst(%dma_wait3A_165 : memref<80xf32, #tpu.memory_space<vmem_shared>>)
    %mul3A_166 = arith.constant 640 : i32
    %mul3A_167 = arith.muli %arg1, %mul3A_166 : i32
    %add3A_168 = arith.constant 320 : i32
    %add3A_169 = arith.addi %mul3A_167, %add3A_168 : i32
    %dma_wait3A_170 = tpu.memref_slice %arg7[%add3A_169] : memref<10240xf32, #tpu.memory_space<vmem_shared>> -> memref<80xf32, #tpu.memory_space<vmem_shared>>
    %dma_wait3A_171 = tpu.memref_slice %arg7[%add3A_169] : memref<10240xf32, #tpu.memory_space<vmem_shared>> -> memref<80xf32, #tpu.memory_space<vmem_shared>>
    tpu.wait_dma2 semaphore(%arg38 : memref<!tpu.dma_semaphore, #tpu.memory_space<semaphore_mem>>) src(%arg24 : memref<80xf32, #tpu.memory_space<vmem>>) dst(%dma_wait3A_171 : memref<80xf32, #tpu.memory_space<vmem_shared>>)
    %mul3A_172 = arith.constant 640 : i32
    %mul3A_173 = arith.muli %arg1, %mul3A_172 : i32
    %add3A_174 = arith.constant 400 : i32
    %add3A_175 = arith.addi %mul3A_173, %add3A_174 : i32
    %dma_wait3A_176 = tpu.memref_slice %arg7[%add3A_175] : memref<10240xf32, #tpu.memory_space<vmem_shared>> -> memref<80xf32, #tpu.memory_space<vmem_shared>>
    %dma_wait3A_177 = tpu.memref_slice %arg7[%add3A_175] : memref<10240xf32, #tpu.memory_space<vmem_shared>> -> memref<80xf32, #tpu.memory_space<vmem_shared>>
    tpu.wait_dma2 semaphore(%arg38 : memref<!tpu.dma_semaphore, #tpu.memory_space<semaphore_mem>>) src(%arg24 : memref<80xf32, #tpu.memory_space<vmem>>) dst(%dma_wait3A_177 : memref<80xf32, #tpu.memory_space<vmem_shared>>)
    %mul3A_178 = arith.constant 640 : i32
    %mul3A_179 = arith.muli %arg1, %mul3A_178 : i32
    %add3A_180 = arith.constant 480 : i32
    %add3A_181 = arith.addi %mul3A_179, %add3A_180 : i32
    %dma_wait3A_182 = tpu.memref_slice %arg7[%add3A_181] : memref<10240xf32, #tpu.memory_space<vmem_shared>> -> memref<80xf32, #tpu.memory_space<vmem_shared>>
    %dma_wait3A_183 = tpu.memref_slice %arg7[%add3A_181] : memref<10240xf32, #tpu.memory_space<vmem_shared>> -> memref<80xf32, #tpu.memory_space<vmem_shared>>
    tpu.wait_dma2 semaphore(%arg38 : memref<!tpu.dma_semaphore, #tpu.memory_space<semaphore_mem>>) src(%arg24 : memref<80xf32, #tpu.memory_space<vmem>>) dst(%dma_wait3A_183 : memref<80xf32, #tpu.memory_space<vmem_shared>>)
    %mul3A_184 = arith.constant 640 : i32
    %mul3A_185 = arith.muli %arg1, %mul3A_184 : i32
    %add3A_186 = arith.constant 560 : i32
    %add3A_187 = arith.addi %mul3A_185, %add3A_186 : i32
    %dma_wait3A_188 = tpu.memref_slice %arg7[%add3A_187] : memref<10240xf32, #tpu.memory_space<vmem_shared>> -> memref<80xf32, #tpu.memory_space<vmem_shared>>
    %dma_wait3A_189 = tpu.memref_slice %arg7[%add3A_187] : memref<10240xf32, #tpu.memory_space<vmem_shared>> -> memref<80xf32, #tpu.memory_space<vmem_shared>>
    tpu.wait_dma2 semaphore(%arg38 : memref<!tpu.dma_semaphore, #tpu.memory_space<semaphore_mem>>) src(%arg24 : memref<80xf32, #tpu.memory_space<vmem>>) dst(%dma_wait3A_189 : memref<80xf32, #tpu.memory_space<vmem_shared>>)
    %barrier3A = arith.constant 0 : index
    tpu.barrier barrier_id(%barrier3A)
    %mul3A_190 = arith.constant 20040 : i32
    %mul3A_191 = arith.muli %arg1, %mul3A_190 : i32
    %add3A_192 = arith.constant 0 : i32
    %add3A_193 = arith.addi %mul3A_191, %add3A_192 : i32
    %dma_start3A_194 = arith.constant 0 : i32
    %dma_start3A_195 = tpu.memref_slice %arg3[%dma_start3A_194, %add3A_193] : memref<3x320640xi32, #tpu.memory_space<hbm>> -> memref<3x40xi32, #tpu.memory_space<hbm>>
    %dma_start3A_196 = arith.constant 0 : i32
    %dma_start3A_197 = tpu.memref_slice %arg3[%dma_start3A_196, %add3A_193] : memref<3x320640xi32, #tpu.memory_space<hbm>> -> memref<3x40xi32, #tpu.memory_space<hbm>>
    tpu.enqueue_dma source(%dma_start3A_197 : memref<3x40xi32, #tpu.memory_space<hbm>>) target(%arg8 : memref<3x40xi32, #tpu.memory_space<vmem>>) target_semaphore(%arg26 : memref<!tpu.dma_semaphore, #tpu.memory_space<semaphore_mem>>)
    %add3A_198 = arith.constant 40 : i32
    %add3A_199 = arith.addi %mul3A_191, %add3A_198 : i32
    %dma_start3A_200 = arith.constant 0 : i32
    %dma_start3A_201 = tpu.memref_slice %arg3[%dma_start3A_200, %add3A_199] : memref<3x320640xi32, #tpu.memory_space<hbm>> -> memref<3x40xi32, #tpu.memory_space<hbm>>
    %dma_start3A_202 = arith.constant 0 : i32
    %dma_start3A_203 = tpu.memref_slice %arg3[%dma_start3A_202, %add3A_199] : memref<3x320640xi32, #tpu.memory_space<hbm>> -> memref<3x40xi32, #tpu.memory_space<hbm>>
    tpu.enqueue_dma source(%dma_start3A_203 : memref<3x40xi32, #tpu.memory_space<hbm>>) target(%arg9 : memref<3x40xi32, #tpu.memory_space<vmem>>) target_semaphore(%arg27 : memref<!tpu.dma_semaphore, #tpu.memory_space<semaphore_mem>>)
    %add3A_204 = arith.constant 80 : i32
    %add3A_205 = arith.addi %mul3A_191, %add3A_204 : i32
    %dma_start3A_206 = arith.constant 0 : i32
    %dma_start3A_207 = tpu.memref_slice %arg3[%dma_start3A_206, %add3A_205] : memref<3x320640xi32, #tpu.memory_space<hbm>> -> memref<3x40xi32, #tpu.memory_space<hbm>>
    %dma_start3A_208 = arith.constant 0 : i32
    %dma_start3A_209 = tpu.memref_slice %arg3[%dma_start3A_208, %add3A_205] : memref<3x320640xi32, #tpu.memory_space<hbm>> -> memref<3x40xi32, #tpu.memory_space<hbm>>
    tpu.enqueue_dma source(%dma_start3A_209 : memref<3x40xi32, #tpu.memory_space<hbm>>) target(%arg10 : memref<3x40xi32, #tpu.memory_space<vmem>>) target_semaphore(%arg28 : memref<!tpu.dma_semaphore, #tpu.memory_space<semaphore_mem>>)
    %scan3A_210 = arith.constant 0 : i32
    %scan3A_211 = arith.constant 0 : i32
    %scan3A_212 = arith.constant 167 : i32
    %scan3A_213 = arith.addi %scan3A_211, %scan3A_212 : i32
    %scan3A_214 = arith.constant 1 : i32
    %scan3A_215 = scf.for %scan3A_315 = %scan3A_211 to %scan3A_213 step %scan3A_214 iter_args(%scan3A_316 = %scan3A_210) -> (i32)  : i32 {
      %mul3A_317 = arith.constant 3 : i32
      %mul3A_318 = arith.muli %scan3A_315, %mul3A_317 : i32
      %gt3A = arith.constant 0 : i32
      %gt3A_319 = arith.cmpi sgt, %scan3A_315, %gt3A : i32
      %convert_element_type3A_320 = arith.extui %gt3A_319 : i1 to i32
      %cond3A_321 = arith.constant 0 : i32
      %cond3A_322 = arith.cmpi ne, %convert_element_type3A_320, %cond3A_321 : i32
      scf.if %cond3A_322 {
        %sub3A = arith.constant 3 : i32
        %sub3A_838 = arith.subi %mul3A_318, %sub3A : i32
        %add3A_839 = arith.constant 0 : i32
        %add3A_840 = arith.addi %sub3A_838, %add3A_839 : i32
        %jit3A_841 = arith.constant 2 : i32
        %eq3A_842 = arith.constant 0 : i32
        %eq3A_843 = arith.cmpi eq, %jit3A_841, %eq3A_842 : i32
        %jit3A_844 = arith.constant 1 : i32
        %select_n3A_845 = arith.select %eq3A_843, %jit3A_844, %jit3A_841 : i32
        %rem3A_846 = arith.remsi %add3A_840, %select_n3A_845 : i32
        %ne3A_847 = arith.constant 0 : i32
        %ne3A_848 = arith.cmpi ne, %rem3A_846, %ne3A_847 : i32
        %lt3A_849 = arith.constant 0 : i32
        %lt3A_850 = arith.cmpi slt, %rem3A_846, %lt3A_849 : i32
        %lt3A_851 = arith.constant 0 : i32
        %lt3A_852 = arith.cmpi slt, %select_n3A_845, %lt3A_851 : i32
        %ne3A_853 = arith.xori %lt3A_850, %lt3A_852 : i1
        %and3A_854 = arith.andi %ne3A_853, %ne3A_848 : i1
        %add3A_855 = arith.addi %rem3A_846, %select_n3A_845 : i32
        %select_n3A_856 = arith.select %and3A_854, %add3A_855, %rem3A_846 : i32
        %dma_wait3A_857 = arith.constant 0 : i32
        %dma_wait3A_858 = arith.constant 0 : i32
        %dma_wait3A_859 = tpu.memref_slice %arg6[%dma_wait3A_857, %dma_wait3A_858] : memref<30048x64xf32, #tpu.memory_space<vmem_shared>> -> memref<30048x64xf32, #tpu.memory_space<vmem_shared>>
        tpu.wait_indirect_dma semaphore(%arg32 : memref<!tpu.dma_semaphore, #tpu.memory_space<semaphore_mem>>) src(%arg20 : memref<40x64xf32, #tpu.memory_space<vmem>>) dst(%dma_wait3A_859 : memref<30048x64xf32, #tpu.memory_space<vmem_shared>>)
        %eq3A_860 = arith.cmpi eq, %arg0, %select_n3A_856 : i32
        %convert_element_type3A_861 = arith.extui %eq3A_860 : i1 to i32
        %cond3A_862 = arith.constant 0 : i32
        %cond3A_863 = arith.cmpi ne, %convert_element_type3A_861, %cond3A_862 : i32
        scf.if %cond3A_863 {
          %dma_wait3A_864 = arith.constant 0 : i32
          %dma_wait3A_865 = tpu.memref_slice %arg7[%dma_wait3A_864] : memref<10240xf32, #tpu.memory_space<vmem_shared>> -> memref<10240xf32, #tpu.memory_space<vmem_shared>>
          tpu.wait_indirect_dma semaphore(%arg35 : memref<!tpu.dma_semaphore, #tpu.memory_space<semaphore_mem>>) src(%arg23 : memref<40xf32, #tpu.memory_space<vmem>>) dst(%dma_wait3A_865 : memref<10240xf32, #tpu.memory_space<vmem_shared>>)
        } else {
        }
      } else {
      }
      %add3A_323 = arith.constant 0 : i32
      %add3A_324 = arith.addi %mul3A_318, %add3A_323 : i32
      %mul3A_325 = arith.constant 40 : i32
      %mul3A_326 = arith.muli %add3A_324, %mul3A_325 : i32
      %add3A_327 = arith.addi %mul3A_191, %mul3A_326 : i32
      %dma_wait3A_328 = arith.constant 0 : i32
      %dma_wait3A_329 = tpu.memref_slice %arg3[%dma_wait3A_328, %add3A_327] : memref<3x320640xi32, #tpu.memory_space<hbm>> -> memref<3x40xi32, #tpu.memory_space<hbm>>
      %dma_wait3A_330 = arith.constant 0 : i32
      %dma_wait3A_331 = tpu.memref_slice %arg3[%dma_wait3A_330, %add3A_327] : memref<3x320640xi32, #tpu.memory_space<hbm>> -> memref<3x40xi32, #tpu.memory_space<hbm>>
      tpu.wait_dma2 semaphore(%arg26 : memref<!tpu.dma_semaphore, #tpu.memory_space<semaphore_mem>>) src(%dma_wait3A_331 : memref<3x40xi32, #tpu.memory_space<hbm>>) dst(%arg8 : memref<3x40xi32, #tpu.memory_space<vmem>>)
      %get3A = arith.constant 2 : i32
      %get3A_332 = arith.index_cast %get3A : i32 to index
      %get3A_333 = arith.constant 0 : index
      %get3A_334 = tpu.vector_load %arg8[%get3A_332, %get3A_333] {strides = array<i32>} : memref<3x40xi32, #tpu.memory_space<vmem>>, vector<1x16xi32>,
      %get3A_335 = vector.shape_cast %get3A_334 : vector<1x16xi32> to vector<16xi32>
      %mul3A_336 = arith.constant 10000 : i32
      %mul3A_337 = vector.broadcast %mul3A_336 : i32 to vector<16xi32>
      %mul3A_338 = arith.muli %get3A_335, %mul3A_337 : vector<16xi32>
      %get3A_339 = arith.constant 1 : i32
      %get3A_340 = arith.index_cast %get3A_339 : i32 to index
      %get3A_341 = arith.constant 0 : index
      %get3A_342 = tpu.vector_load %arg8[%get3A_340, %get3A_341] {strides = array<i32>} : memref<3x40xi32, #tpu.memory_space<vmem>>, vector<1x16xi32>,
      %get3A_343 = vector.shape_cast %get3A_342 : vector<1x16xi32> to vector<16xi32>
      %add3A_344 = arith.addi %mul3A_338, %get3A_343 : vector<16xi32>
      %swap3A_345 = arith.constant 0 : index
      %swap3A_346 = tpu.vector_load %arg11[%swap3A_345] {strides = array<i32>} : memref<40xi32, #tpu.memory_space<vmem>>, vector<16xi32>,
      %swap3A_347 = vector.shape_cast %swap3A_346 : vector<16xi32> to vector<16xi32>
      %swap3A_348 = vector.shape_cast %add3A_344 : vector<16xi32> to vector<16xi32>
      tpu.vector_store %arg11[%swap3A_345], %swap3A_348 {strides = array<i32>} : memref<40xi32, #tpu.memory_space<vmem>>, vector<16xi32>,
      %get3A_349 = arith.constant 1 : i32
      %get3A_350 = arith.index_cast %get3A_349 : i32 to index
      %get3A_351 = arith.constant 0 : index
      %get3A_352 = tpu.vector_load %arg8[%get3A_350, %get3A_351] {strides = array<i32>} : memref<3x40xi32, #tpu.memory_space<vmem>>, vector<1x16xi32>,
      %get3A_353 = vector.shape_cast %get3A_352 : vector<1x16xi32> to vector<16xi32>
      %swap3A_354 = arith.constant 0 : index
      %swap3A_355 = tpu.vector_load %arg17[%swap3A_354] {strides = array<i32>} : memref<40xi32, #tpu.memory_space<vmem>>, vector<16xi32>,
      %swap3A_356 = vector.shape_cast %swap3A_355 : vector<16xi32> to vector<16xi32>
      %swap3A_357 = vector.shape_cast %get3A_353 : vector<16xi32> to vector<16xi32>
      tpu.vector_store %arg17[%swap3A_354], %swap3A_357 {strides = array<i32>} : memref<40xi32, #tpu.memory_space<vmem>>, vector<16xi32>,
      %get3A_358 = arith.constant 0 : i32
      %get3A_359 = arith.index_cast %get3A_358 : i32 to index
      %get3A_360 = arith.constant 0 : index
      %get3A_361 = tpu.vector_load %arg8[%get3A_359, %get3A_360] {strides = array<i32>} : memref<3x40xi32, #tpu.memory_space<vmem>>, vector<1x16xi32>,
      %get3A_362 = vector.shape_cast %get3A_361 : vector<1x16xi32> to vector<16xi32>
      %mul3A_363 = arith.constant 2 : i32
      %mul3A_364 = vector.broadcast %mul3A_363 : i32 to vector<16xi32>
      %mul3A_365 = arith.muli %get3A_362, %mul3A_364 : vector<16xi32>
      %add3A_366 = vector.broadcast %arg0 : i32 to vector<16xi32>
      %add3A_367 = arith.addi %mul3A_365, %add3A_366 : vector<16xi32>
      %swap3A_368 = arith.constant 0 : index
      %swap3A_369 = tpu.vector_load %arg14[%swap3A_368] {strides = array<i32>} : memref<40xi32, #tpu.memory_space<vmem>>, vector<16xi32>,
      %swap3A_370 = vector.shape_cast %swap3A_369 : vector<16xi32> to vector<16xi32>
      %swap3A_371 = vector.shape_cast %add3A_367 : vector<16xi32> to vector<16xi32>
      tpu.vector_store %arg14[%swap3A_368], %swap3A_371 {strides = array<i32>} : memref<40xi32, #tpu.memory_space<vmem>>, vector<16xi32>,
      %get3A_372 = arith.constant 2 : i32
      %get3A_373 = arith.index_cast %get3A_372 : i32 to index
      %get3A_374 = arith.constant 16 : index
      %get3A_375 = tpu.vector_load %arg8[%get3A_373, %get3A_374] {strides = array<i32>} : memref<3x40xi32, #tpu.memory_space<vmem>>, vector<1x16xi32>,
      %get3A_376 = vector.shape_cast %get3A_375 : vector<1x16xi32> to vector<16xi32>
      %mul3A_377 = arith.constant 10000 : i32
      %mul3A_378 = vector.broadcast %mul3A_377 : i32 to vector<16xi32>
      %mul3A_379 = arith.muli %get3A_376, %mul3A_378 : vector<16xi32>
      %get3A_380 = arith.constant 1 : i32
      %get3A_381 = arith.index_cast %get3A_380 : i32 to index
      %get3A_382 = arith.constant 16 : index
      %get3A_383 = tpu.vector_load %arg8[%get3A_381, %get3A_382] {strides = array<i32>} : memref<3x40xi32, #tpu.memory_space<vmem>>, vector<1x16xi32>,
      %get3A_384 = vector.shape_cast %get3A_383 : vector<1x16xi32> to vector<16xi32>
      %add3A_385 = arith.addi %mul3A_379, %get3A_384 : vector<16xi32>
      %swap3A_386 = arith.constant 16 : index
      %swap3A_387 = tpu.vector_load %arg11[%swap3A_386] {strides = array<i32>} : memref<40xi32, #tpu.memory_space<vmem>>, vector<16xi32>,
      %swap3A_388 = vector.shape_cast %swap3A_387 : vector<16xi32> to vector<16xi32>
      %swap3A_389 = vector.shape_cast %add3A_385 : vector<16xi32> to vector<16xi32>
      tpu.vector_store %arg11[%swap3A_386], %swap3A_389 {strides = array<i32>} : memref<40xi32, #tpu.memory_space<vmem>>, vector<16xi32>,
      %get3A_390 = arith.constant 1 : i32
      %get3A_391 = arith.index_cast %get3A_390 : i32 to index
      %get3A_392 = arith.constant 16 : index
      %get3A_393 = tpu.vector_load %arg8[%get3A_391, %get3A_392] {strides = array<i32>} : memref<3x40xi32, #tpu.memory_space<vmem>>, vector<1x16xi32>,
      %get3A_394 = vector.shape_cast %get3A_393 : vector<1x16xi32> to vector<16xi32>
      %swap3A_395 = arith.constant 16 : index
      %swap3A_396 = tpu.vector_load %arg17[%swap3A_395] {strides = array<i32>} : memref<40xi32, #tpu.memory_space<vmem>>, vector<16xi32>,
      %swap3A_397 = vector.shape_cast %swap3A_396 : vector<16xi32> to vector<16xi32>
      %swap3A_398 = vector.shape_cast %get3A_394 : vector<16xi32> to vector<16xi32>
      tpu.vector_store %arg17[%swap3A_395], %swap3A_398 {strides = array<i32>} : memref<40xi32, #tpu.memory_space<vmem>>, vector<16xi32>,
      %get3A_399 = arith.constant 0 : i32
      %get3A_400 = arith.index_cast %get3A_399 : i32 to index
      %get3A_401 = arith.constant 16 : index
      %get3A_402 = tpu.vector_load %arg8[%get3A_400, %get3A_401] {strides = array<i32>} : memref<3x40xi32, #tpu.memory_space<vmem>>, vector<1x16xi32>,
      %get3A_403 = vector.shape_cast %get3A_402 : vector<1x16xi32> to vector<16xi32>
      %mul3A_404 = arith.constant 2 : i32
      %mul3A_405 = vector.broadcast %mul3A_404 : i32 to vector<16xi32>
      %mul3A_406 = arith.muli %get3A_403, %mul3A_405 : vector<16xi32>
      %add3A_407 = vector.broadcast %arg0 : i32 to vector<16xi32>
      %add3A_408 = arith.addi %mul3A_406, %add3A_407 : vector<16xi32>
      %swap3A_409 = arith.constant 16 : index
      %swap3A_410 = tpu.vector_load %arg14[%swap3A_409] {strides = array<i32>} : memref<40xi32, #tpu.memory_space<vmem>>, vector<16xi32>,
      %swap3A_411 = vector.shape_cast %swap3A_410 : vector<16xi32> to vector<16xi32>
      %swap3A_412 = vector.shape_cast %add3A_408 : vector<16xi32> to vector<16xi32>
      tpu.vector_store %arg14[%swap3A_409], %swap3A_412 {strides = array<i32>} : memref<40xi32, #tpu.memory_space<vmem>>, vector<16xi32>,
      %get3A_413 = arith.constant 2 : i32
      %get3A_414 = arith.index_cast %get3A_413 : i32 to index
      %get3A_415 = arith.constant 24 : index
      %get3A_416 = tpu.vector_load %arg8[%get3A_414, %get3A_415] {strides = array<i32>} : memref<3x40xi32, #tpu.memory_space<vmem>>, vector<1x16xi32>,
      %get3A_417 = vector.shape_cast %get3A_416 : vector<1x16xi32> to vector<16xi32>
      %mul3A_418 = arith.constant 10000 : i32
      %mul3A_419 = vector.broadcast %mul3A_418 : i32 to vector<16xi32>
      %mul3A_420 = arith.muli %get3A_417, %mul3A_419 : vector<16xi32>
      %get3A_421 = arith.constant 1 : i32
      %get3A_422 = arith.index_cast %get3A_421 : i32 to index
      %get3A_423 = arith.constant 24 : index
      %get3A_424 = tpu.vector_load %arg8[%get3A_422, %get3A_423] {strides = array<i32>} : memref<3x40xi32, #tpu.memory_space<vmem>>, vector<1x16xi32>,
      %get3A_425 = vector.shape_cast %get3A_424 : vector<1x16xi32> to vector<16xi32>
      %add3A_426 = arith.addi %mul3A_420, %get3A_425 : vector<16xi32>
      %swap3A_427 = arith.constant 24 : index
      %swap3A_428 = tpu.vector_load %arg11[%swap3A_427] {strides = array<i32>} : memref<40xi32, #tpu.memory_space<vmem>>, vector<16xi32>,
      %swap3A_429 = vector.shape_cast %swap3A_428 : vector<16xi32> to vector<16xi32>
      %swap3A_430 = vector.shape_cast %add3A_426 : vector<16xi32> to vector<16xi32>
      tpu.vector_store %arg11[%swap3A_427], %swap3A_430 {strides = array<i32>} : memref<40xi32, #tpu.memory_space<vmem>>, vector<16xi32>,
      %get3A_431 = arith.constant 1 : i32
      %get3A_432 = arith.index_cast %get3A_431 : i32 to index
      %get3A_433 = arith.constant 24 : index
      %get3A_434 = tpu.vector_load %arg8[%get3A_432, %get3A_433] {strides = array<i32>} : memref<3x40xi32, #tpu.memory_space<vmem>>, vector<1x16xi32>,
      %get3A_435 = vector.shape_cast %get3A_434 : vector<1x16xi32> to vector<16xi32>
      %swap3A_436 = arith.constant 24 : index
      %swap3A_437 = tpu.vector_load %arg17[%swap3A_436] {strides = array<i32>} : memref<40xi32, #tpu.memory_space<vmem>>, vector<16xi32>,
      %swap3A_438 = vector.shape_cast %swap3A_437 : vector<16xi32> to vector<16xi32>
      %swap3A_439 = vector.shape_cast %get3A_435 : vector<16xi32> to vector<16xi32>
      tpu.vector_store %arg17[%swap3A_436], %swap3A_439 {strides = array<i32>} : memref<40xi32, #tpu.memory_space<vmem>>, vector<16xi32>,
      %get3A_440 = arith.constant 0 : i32
      %get3A_441 = arith.index_cast %get3A_440 : i32 to index
      %get3A_442 = arith.constant 24 : index
      %get3A_443 = tpu.vector_load %arg8[%get3A_441, %get3A_442] {strides = array<i32>} : memref<3x40xi32, #tpu.memory_space<vmem>>, vector<1x16xi32>,
      %get3A_444 = vector.shape_cast %get3A_443 : vector<1x16xi32> to vector<16xi32>
      %mul3A_445 = arith.constant 2 : i32
      %mul3A_446 = vector.broadcast %mul3A_445 : i32 to vector<16xi32>
      %mul3A_447 = arith.muli %get3A_444, %mul3A_446 : vector<16xi32>
      %add3A_448 = vector.broadcast %arg0 : i32 to vector<16xi32>
      %add3A_449 = arith.addi %mul3A_447, %add3A_448 : vector<16xi32>
      %swap3A_450 = arith.constant 24 : index
      %swap3A_451 = tpu.vector_load %arg14[%swap3A_450] {strides = array<i32>} : memref<40xi32, #tpu.memory_space<vmem>>, vector<16xi32>,
      %swap3A_452 = vector.shape_cast %swap3A_451 : vector<16xi32> to vector<16xi32>
      %swap3A_453 = vector.shape_cast %add3A_449 : vector<16xi32> to vector<16xi32>
      tpu.vector_store %arg14[%swap3A_450], %swap3A_453 {strides = array<i32>} : memref<40xi32, #tpu.memory_space<vmem>>, vector<16xi32>,
      %add3A_454 = arith.constant 3 : i32
      %add3A_455 = arith.addi %add3A_324, %add3A_454 : i32
      %lt3A_456 = arith.constant 501 : i32
      %lt3A_457 = arith.cmpi slt, %add3A_455, %lt3A_456 : i32
      %convert_element_type3A_458 = arith.extui %lt3A_457 : i1 to i32
      %cond3A_459 = arith.constant 0 : i32
      %cond3A_460 = arith.cmpi ne, %convert_element_type3A_458, %cond3A_459 : i32
      scf.if %cond3A_460 {
        %add3A_838 = arith.constant 3 : i32
        %add3A_839 = arith.addi %add3A_324, %add3A_838 : i32
        %mul3A_840 = arith.constant 40 : i32
        %mul3A_841 = arith.muli %add3A_839, %mul3A_840 : i32
        %add3A_842 = arith.addi %mul3A_191, %mul3A_841 : i32
        %dma_start3A_843 = arith.constant 0 : i32
        %dma_start3A_844 = tpu.memref_slice %arg3[%dma_start3A_843, %add3A_842] : memref<3x320640xi32, #tpu.memory_space<hbm>> -> memref<3x40xi32, #tpu.memory_space<hbm>>
        %dma_start3A_845 = arith.constant 0 : i32
        %dma_start3A_846 = tpu.memref_slice %arg3[%dma_start3A_845, %add3A_842] : memref<3x320640xi32, #tpu.memory_space<hbm>> -> memref<3x40xi32, #tpu.memory_space<hbm>>
        tpu.enqueue_dma source(%dma_start3A_846 : memref<3x40xi32, #tpu.memory_space<hbm>>) target(%arg8 : memref<3x40xi32, #tpu.memory_space<vmem>>) target_semaphore(%arg26 : memref<!tpu.dma_semaphore, #tpu.memory_space<semaphore_mem>>)
      } else {
      }
      %dma_start3A_461 = arith.constant 0 : i32
      %dma_start3A_462 = arith.constant 0 : i32
      %dma_start3A_463 = tpu.memref_slice %arg2[%dma_start3A_461, %dma_start3A_462] : memref<20000x64xf32, #tpu.memory_space<hbm>> -> memref<20000x64xf32, #tpu.memory_space<hbm>>
      tpu.enqueue_indirect_dma source(%dma_start3A_463 : memref<20000x64xf32, #tpu.memory_space<hbm>>) target(%arg20 : memref<40x64xf32, #tpu.memory_space<vmem>>) offsets(%arg14 : memref<40xi32, #tpu.memory_space<vmem>>) semaphore(%arg29 : memref<!tpu.dma_semaphore, #tpu.memory_space<semaphore_mem>>)
      %gt3A_464 = arith.constant 0 : i32
      %gt3A_465 = arith.cmpi sgt, %scan3A_315, %gt3A_464 : i32
      %convert_element_type3A_466 = arith.extui %gt3A_465 : i1 to i32
      %cond3A_467 = arith.constant 0 : i32
      %cond3A_468 = arith.cmpi ne, %convert_element_type3A_466, %cond3A_467 : i32
      scf.if %cond3A_468 {
        %sub3A = arith.constant 3 : i32
        %sub3A_838 = arith.subi %mul3A_318, %sub3A : i32
        %add3A_839 = arith.constant 1 : i32
        %add3A_840 = arith.addi %sub3A_838, %add3A_839 : i32
        %jit3A_841 = arith.constant 2 : i32
        %eq3A_842 = arith.constant 0 : i32
        %eq3A_843 = arith.cmpi eq, %jit3A_841, %eq3A_842 : i32
        %jit3A_844 = arith.constant 1 : i32
        %select_n3A_845 = arith.select %eq3A_843, %jit3A_844, %jit3A_841 : i32
        %rem3A_846 = arith.remsi %add3A_840, %select_n3A_845 : i32
        %ne3A_847 = arith.constant 0 : i32
        %ne3A_848 = arith.cmpi ne, %rem3A_846, %ne3A_847 : i32
        %lt3A_849 = arith.constant 0 : i32
        %lt3A_850 = arith.cmpi slt, %rem3A_846, %lt3A_849 : i32
        %lt3A_851 = arith.constant 0 : i32
        %lt3A_852 = arith.cmpi slt, %select_n3A_845, %lt3A_851 : i32
        %ne3A_853 = arith.xori %lt3A_850, %lt3A_852 : i1
        %and3A_854 = arith.andi %ne3A_853, %ne3A_848 : i1
        %add3A_855 = arith.addi %rem3A_846, %select_n3A_845 : i32
        %select_n3A_856 = arith.select %and3A_854, %add3A_855, %rem3A_846 : i32
        %dma_wait3A_857 = arith.constant 0 : i32
        %dma_wait3A_858 = arith.constant 0 : i32
        %dma_wait3A_859 = tpu.memref_slice %arg6[%dma_wait3A_857, %dma_wait3A_858] : memref<30048x64xf32, #tpu.memory_space<vmem_shared>> -> memref<30048x64xf32, #tpu.memory_space<vmem_shared>>
        tpu.wait_indirect_dma semaphore(%arg33 : memref<!tpu.dma_semaphore, #tpu.memory_space<semaphore_mem>>) src(%arg21 : memref<40x64xf32, #tpu.memory_space<vmem>>) dst(%dma_wait3A_859 : memref<30048x64xf32, #tpu.memory_space<vmem_shared>>)
        %eq3A_860 = arith.cmpi eq, %arg0, %select_n3A_856 : i32
        %convert_element_type3A_861 = arith.extui %eq3A_860 : i1 to i32
        %cond3A_862 = arith.constant 0 : i32
        %cond3A_863 = arith.cmpi ne, %convert_element_type3A_861, %cond3A_862 : i32
        scf.if %cond3A_863 {
          %dma_wait3A_864 = arith.constant 0 : i32
          %dma_wait3A_865 = tpu.memref_slice %arg7[%dma_wait3A_864] : memref<10240xf32, #tpu.memory_space<vmem_shared>> -> memref<10240xf32, #tpu.memory_space<vmem_shared>>
          tpu.wait_indirect_dma semaphore(%arg36 : memref<!tpu.dma_semaphore, #tpu.memory_space<semaphore_mem>>) src(%arg23 : memref<40xf32, #tpu.memory_space<vmem>>) dst(%dma_wait3A_865 : memref<10240xf32, #tpu.memory_space<vmem_shared>>)
        } else {
        }
      } else {
      }
      %add3A_469 = arith.constant 1 : i32
      %add3A_470 = arith.addi %mul3A_318, %add3A_469 : i32
      %mul3A_471 = arith.constant 40 : i32
      %mul3A_472 = arith.muli %add3A_470, %mul3A_471 : i32
      %add3A_473 = arith.addi %mul3A_191, %mul3A_472 : i32
      %dma_wait3A_474 = arith.constant 0 : i32
      %dma_wait3A_475 = tpu.memref_slice %arg3[%dma_wait3A_474, %add3A_473] : memref<3x320640xi32, #tpu.memory_space<hbm>> -> memref<3x40xi32, #tpu.memory_space<hbm>>
      %dma_wait3A_476 = arith.constant 0 : i32
      %dma_wait3A_477 = tpu.memref_slice %arg3[%dma_wait3A_476, %add3A_473] : memref<3x320640xi32, #tpu.memory_space<hbm>> -> memref<3x40xi32, #tpu.memory_space<hbm>>
      tpu.wait_dma2 semaphore(%arg27 : memref<!tpu.dma_semaphore, #tpu.memory_space<semaphore_mem>>) src(%dma_wait3A_477 : memref<3x40xi32, #tpu.memory_space<hbm>>) dst(%arg9 : memref<3x40xi32, #tpu.memory_space<vmem>>)
      %get3A_478 = arith.constant 2 : i32
      %get3A_479 = arith.index_cast %get3A_478 : i32 to index
      %get3A_480 = arith.constant 0 : index
      %get3A_481 = tpu.vector_load %arg9[%get3A_479, %get3A_480] {strides = array<i32>} : memref<3x40xi32, #tpu.memory_space<vmem>>, vector<1x16xi32>,
      %get3A_482 = vector.shape_cast %get3A_481 : vector<1x16xi32> to vector<16xi32>
      %mul3A_483 = arith.constant 10000 : i32
      %mul3A_484 = vector.broadcast %mul3A_483 : i32 to vector<16xi32>
      %mul3A_485 = arith.muli %get3A_482, %mul3A_484 : vector<16xi32>
      %get3A_486 = arith.constant 1 : i32
      %get3A_487 = arith.index_cast %get3A_486 : i32 to index
      %get3A_488 = arith.constant 0 : index
      %get3A_489 = tpu.vector_load %arg9[%get3A_487, %get3A_488] {strides = array<i32>} : memref<3x40xi32, #tpu.memory_space<vmem>>, vector<1x16xi32>,
      %get3A_490 = vector.shape_cast %get3A_489 : vector<1x16xi32> to vector<16xi32>
      %add3A_491 = arith.addi %mul3A_485, %get3A_490 : vector<16xi32>
      %swap3A_492 = arith.constant 0 : index
      %swap3A_493 = tpu.vector_load %arg12[%swap3A_492] {strides = array<i32>} : memref<40xi32, #tpu.memory_space<vmem>>, vector<16xi32>,
      %swap3A_494 = vector.shape_cast %swap3A_493 : vector<16xi32> to vector<16xi32>
      %swap3A_495 = vector.shape_cast %add3A_491 : vector<16xi32> to vector<16xi32>
      tpu.vector_store %arg12[%swap3A_492], %swap3A_495 {strides = array<i32>} : memref<40xi32, #tpu.memory_space<vmem>>, vector<16xi32>,
      %get3A_496 = arith.constant 1 : i32
      %get3A_497 = arith.index_cast %get3A_496 : i32 to index
      %get3A_498 = arith.constant 0 : index
      %get3A_499 = tpu.vector_load %arg9[%get3A_497, %get3A_498] {strides = array<i32>} : memref<3x40xi32, #tpu.memory_space<vmem>>, vector<1x16xi32>,
      %get3A_500 = vector.shape_cast %get3A_499 : vector<1x16xi32> to vector<16xi32>
      %swap3A_501 = arith.constant 0 : index
      %swap3A_502 = tpu.vector_load %arg18[%swap3A_501] {strides = array<i32>} : memref<40xi32, #tpu.memory_space<vmem>>, vector<16xi32>,
      %swap3A_503 = vector.shape_cast %swap3A_502 : vector<16xi32> to vector<16xi32>
      %swap3A_504 = vector.shape_cast %get3A_500 : vector<16xi32> to vector<16xi32>
      tpu.vector_store %arg18[%swap3A_501], %swap3A_504 {strides = array<i32>} : memref<40xi32, #tpu.memory_space<vmem>>, vector<16xi32>,
      %get3A_505 = arith.constant 0 : i32
      %get3A_506 = arith.index_cast %get3A_505 : i32 to index
      %get3A_507 = arith.constant 0 : index
      %get3A_508 = tpu.vector_load %arg9[%get3A_506, %get3A_507] {strides = array<i32>} : memref<3x40xi32, #tpu.memory_space<vmem>>, vector<1x16xi32>,
      %get3A_509 = vector.shape_cast %get3A_508 : vector<1x16xi32> to vector<16xi32>
      %mul3A_510 = arith.constant 2 : i32
      %mul3A_511 = vector.broadcast %mul3A_510 : i32 to vector<16xi32>
      %mul3A_512 = arith.muli %get3A_509, %mul3A_511 : vector<16xi32>
      %add3A_513 = vector.broadcast %arg0 : i32 to vector<16xi32>
      %add3A_514 = arith.addi %mul3A_512, %add3A_513 : vector<16xi32>
      %swap3A_515 = arith.constant 0 : index
      %swap3A_516 = tpu.vector_load %arg15[%swap3A_515] {strides = array<i32>} : memref<40xi32, #tpu.memory_space<vmem>>, vector<16xi32>,
      %swap3A_517 = vector.shape_cast %swap3A_516 : vector<16xi32> to vector<16xi32>
      %swap3A_518 = vector.shape_cast %add3A_514 : vector<16xi32> to vector<16xi32>
      tpu.vector_store %arg15[%swap3A_515], %swap3A_518 {strides = array<i32>} : memref<40xi32, #tpu.memory_space<vmem>>, vector<16xi32>,
      %get3A_519 = arith.constant 2 : i32
      %get3A_520 = arith.index_cast %get3A_519 : i32 to index
      %get3A_521 = arith.constant 16 : index
      %get3A_522 = tpu.vector_load %arg9[%get3A_520, %get3A_521] {strides = array<i32>} : memref<3x40xi32, #tpu.memory_space<vmem>>, vector<1x16xi32>,
      %get3A_523 = vector.shape_cast %get3A_522 : vector<1x16xi32> to vector<16xi32>
      %mul3A_524 = arith.constant 10000 : i32
      %mul3A_525 = vector.broadcast %mul3A_524 : i32 to vector<16xi32>
      %mul3A_526 = arith.muli %get3A_523, %mul3A_525 : vector<16xi32>
      %get3A_527 = arith.constant 1 : i32
      %get3A_528 = arith.index_cast %get3A_527 : i32 to index
      %get3A_529 = arith.constant 16 : index
      %get3A_530 = tpu.vector_load %arg9[%get3A_528, %get3A_529] {strides = array<i32>} : memref<3x40xi32, #tpu.memory_space<vmem>>, vector<1x16xi32>,
      %get3A_531 = vector.shape_cast %get3A_530 : vector<1x16xi32> to vector<16xi32>
      %add3A_532 = arith.addi %mul3A_526, %get3A_531 : vector<16xi32>
      %swap3A_533 = arith.constant 16 : index
      %swap3A_534 = tpu.vector_load %arg12[%swap3A_533] {strides = array<i32>} : memref<40xi32, #tpu.memory_space<vmem>>, vector<16xi32>,
      %swap3A_535 = vector.shape_cast %swap3A_534 : vector<16xi32> to vector<16xi32>
      %swap3A_536 = vector.shape_cast %add3A_532 : vector<16xi32> to vector<16xi32>
      tpu.vector_store %arg12[%swap3A_533], %swap3A_536 {strides = array<i32>} : memref<40xi32, #tpu.memory_space<vmem>>, vector<16xi32>,
      %get3A_537 = arith.constant 1 : i32
      %get3A_538 = arith.index_cast %get3A_537 : i32 to index
      %get3A_539 = arith.constant 16 : index
      %get3A_540 = tpu.vector_load %arg9[%get3A_538, %get3A_539] {strides = array<i32>} : memref<3x40xi32, #tpu.memory_space<vmem>>, vector<1x16xi32>,
      %get3A_541 = vector.shape_cast %get3A_540 : vector<1x16xi32> to vector<16xi32>
      %swap3A_542 = arith.constant 16 : index
      %swap3A_543 = tpu.vector_load %arg18[%swap3A_542] {strides = array<i32>} : memref<40xi32, #tpu.memory_space<vmem>>, vector<16xi32>,
      %swap3A_544 = vector.shape_cast %swap3A_543 : vector<16xi32> to vector<16xi32>
      %swap3A_545 = vector.shape_cast %get3A_541 : vector<16xi32> to vector<16xi32>
      tpu.vector_store %arg18[%swap3A_542], %swap3A_545 {strides = array<i32>} : memref<40xi32, #tpu.memory_space<vmem>>, vector<16xi32>,
      %get3A_546 = arith.constant 0 : i32
      %get3A_547 = arith.index_cast %get3A_546 : i32 to index
      %get3A_548 = arith.constant 16 : index
      %get3A_549 = tpu.vector_load %arg9[%get3A_547, %get3A_548] {strides = array<i32>} : memref<3x40xi32, #tpu.memory_space<vmem>>, vector<1x16xi32>,
      %get3A_550 = vector.shape_cast %get3A_549 : vector<1x16xi32> to vector<16xi32>
      %mul3A_551 = arith.constant 2 : i32
      %mul3A_552 = vector.broadcast %mul3A_551 : i32 to vector<16xi32>
      %mul3A_553 = arith.muli %get3A_550, %mul3A_552 : vector<16xi32>
      %add3A_554 = vector.broadcast %arg0 : i32 to vector<16xi32>
      %add3A_555 = arith.addi %mul3A_553, %add3A_554 : vector<16xi32>
      %swap3A_556 = arith.constant 16 : index
      %swap3A_557 = tpu.vector_load %arg15[%swap3A_556] {strides = array<i32>} : memref<40xi32, #tpu.memory_space<vmem>>, vector<16xi32>,
      %swap3A_558 = vector.shape_cast %swap3A_557 : vector<16xi32> to vector<16xi32>
      %swap3A_559 = vector.shape_cast %add3A_555 : vector<16xi32> to vector<16xi32>
      tpu.vector_store %arg15[%swap3A_556], %swap3A_559 {strides = array<i32>} : memref<40xi32, #tpu.memory_space<vmem>>, vector<16xi32>,
      %get3A_560 = arith.constant 2 : i32
      %get3A_561 = arith.index_cast %get3A_560 : i32 to index
      %get3A_562 = arith.constant 24 : index
      %get3A_563 = tpu.vector_load %arg9[%get3A_561, %get3A_562] {strides = array<i32>} : memref<3x40xi32, #tpu.memory_space<vmem>>, vector<1x16xi32>,
      %get3A_564 = vector.shape_cast %get3A_563 : vector<1x16xi32> to vector<16xi32>
      %mul3A_565 = arith.constant 10000 : i32
      %mul3A_566 = vector.broadcast %mul3A_565 : i32 to vector<16xi32>
      %mul3A_567 = arith.muli %get3A_564, %mul3A_566 : vector<16xi32>
      %get3A_568 = arith.constant 1 : i32
      %get3A_569 = arith.index_cast %get3A_568 : i32 to index
      %get3A_570 = arith.constant 24 : index
      %get3A_571 = tpu.vector_load %arg9[%get3A_569, %get3A_570] {strides = array<i32>} : memref<3x40xi32, #tpu.memory_space<vmem>>, vector<1x16xi32>,
      %get3A_572 = vector.shape_cast %get3A_571 : vector<1x16xi32> to vector<16xi32>
      %add3A_573 = arith.addi %mul3A_567, %get3A_572 : vector<16xi32>
      %swap3A_574 = arith.constant 24 : index
      %swap3A_575 = tpu.vector_load %arg12[%swap3A_574] {strides = array<i32>} : memref<40xi32, #tpu.memory_space<vmem>>, vector<16xi32>,
      %swap3A_576 = vector.shape_cast %swap3A_575 : vector<16xi32> to vector<16xi32>
      %swap3A_577 = vector.shape_cast %add3A_573 : vector<16xi32> to vector<16xi32>
      tpu.vector_store %arg12[%swap3A_574], %swap3A_577 {strides = array<i32>} : memref<40xi32, #tpu.memory_space<vmem>>, vector<16xi32>,
      %get3A_578 = arith.constant 1 : i32
      %get3A_579 = arith.index_cast %get3A_578 : i32 to index
      %get3A_580 = arith.constant 24 : index
      %get3A_581 = tpu.vector_load %arg9[%get3A_579, %get3A_580] {strides = array<i32>} : memref<3x40xi32, #tpu.memory_space<vmem>>, vector<1x16xi32>,
      %get3A_582 = vector.shape_cast %get3A_581 : vector<1x16xi32> to vector<16xi32>
      %swap3A_583 = arith.constant 24 : index
      %swap3A_584 = tpu.vector_load %arg18[%swap3A_583] {strides = array<i32>} : memref<40xi32, #tpu.memory_space<vmem>>, vector<16xi32>,
      %swap3A_585 = vector.shape_cast %swap3A_584 : vector<16xi32> to vector<16xi32>
      %swap3A_586 = vector.shape_cast %get3A_582 : vector<16xi32> to vector<16xi32>
      tpu.vector_store %arg18[%swap3A_583], %swap3A_586 {strides = array<i32>} : memref<40xi32, #tpu.memory_space<vmem>>, vector<16xi32>,
      %get3A_587 = arith.constant 0 : i32
      %get3A_588 = arith.index_cast %get3A_587 : i32 to index
      %get3A_589 = arith.constant 24 : index
      %get3A_590 = tpu.vector_load %arg9[%get3A_588, %get3A_589] {strides = array<i32>} : memref<3x40xi32, #tpu.memory_space<vmem>>, vector<1x16xi32>,
      %get3A_591 = vector.shape_cast %get3A_590 : vector<1x16xi32> to vector<16xi32>
      %mul3A_592 = arith.constant 2 : i32
      %mul3A_593 = vector.broadcast %mul3A_592 : i32 to vector<16xi32>
      %mul3A_594 = arith.muli %get3A_591, %mul3A_593 : vector<16xi32>
      %add3A_595 = vector.broadcast %arg0 : i32 to vector<16xi32>
      %add3A_596 = arith.addi %mul3A_594, %add3A_595 : vector<16xi32>
      %swap3A_597 = arith.constant 24 : index
      %swap3A_598 = tpu.vector_load %arg15[%swap3A_597] {strides = array<i32>} : memref<40xi32, #tpu.memory_space<vmem>>, vector<16xi32>,
      %swap3A_599 = vector.shape_cast %swap3A_598 : vector<16xi32> to vector<16xi32>
      %swap3A_600 = vector.shape_cast %add3A_596 : vector<16xi32> to vector<16xi32>
      tpu.vector_store %arg15[%swap3A_597], %swap3A_600 {strides = array<i32>} : memref<40xi32, #tpu.memory_space<vmem>>, vector<16xi32>,
      %add3A_601 = arith.constant 3 : i32
      %add3A_602 = arith.addi %add3A_470, %add3A_601 : i32
      %lt3A_603 = arith.constant 501 : i32
      %lt3A_604 = arith.cmpi slt, %add3A_602, %lt3A_603 : i32
      %convert_element_type3A_605 = arith.extui %lt3A_604 : i1 to i32
      %cond3A_606 = arith.constant 0 : i32
      %cond3A_607 = arith.cmpi ne, %convert_element_type3A_605, %cond3A_606 : i32
      scf.if %cond3A_607 {
        %add3A_838 = arith.constant 3 : i32
        %add3A_839 = arith.addi %add3A_470, %add3A_838 : i32
        %mul3A_840 = arith.constant 40 : i32
        %mul3A_841 = arith.muli %add3A_839, %mul3A_840 : i32
        %add3A_842 = arith.addi %mul3A_191, %mul3A_841 : i32
        %dma_start3A_843 = arith.constant 0 : i32
        %dma_start3A_844 = tpu.memref_slice %arg3[%dma_start3A_843, %add3A_842] : memref<3x320640xi32, #tpu.memory_space<hbm>> -> memref<3x40xi32, #tpu.memory_space<hbm>>
        %dma_start3A_845 = arith.constant 0 : i32
        %dma_start3A_846 = tpu.memref_slice %arg3[%dma_start3A_845, %add3A_842] : memref<3x320640xi32, #tpu.memory_space<hbm>> -> memref<3x40xi32, #tpu.memory_space<hbm>>
        tpu.enqueue_dma source(%dma_start3A_846 : memref<3x40xi32, #tpu.memory_space<hbm>>) target(%arg9 : memref<3x40xi32, #tpu.memory_space<vmem>>) target_semaphore(%arg27 : memref<!tpu.dma_semaphore, #tpu.memory_space<semaphore_mem>>)
      } else {
      }
      %dma_start3A_608 = arith.constant 0 : i32
      %dma_start3A_609 = arith.constant 0 : i32
      %dma_start3A_610 = tpu.memref_slice %arg2[%dma_start3A_608, %dma_start3A_609] : memref<20000x64xf32, #tpu.memory_space<hbm>> -> memref<20000x64xf32, #tpu.memory_space<hbm>>
      tpu.enqueue_indirect_dma source(%dma_start3A_610 : memref<20000x64xf32, #tpu.memory_space<hbm>>) target(%arg21 : memref<40x64xf32, #tpu.memory_space<vmem>>) offsets(%arg15 : memref<40xi32, #tpu.memory_space<vmem>>) semaphore(%arg30 : memref<!tpu.dma_semaphore, #tpu.memory_space<semaphore_mem>>)
      %gt3A_611 = arith.constant 0 : i32
      %gt3A_612 = arith.cmpi sgt, %scan3A_315, %gt3A_611 : i32
      %convert_element_type3A_613 = arith.extui %gt3A_612 : i1 to i32
      %cond3A_614 = arith.constant 0 : i32
      %cond3A_615 = arith.cmpi ne, %convert_element_type3A_613, %cond3A_614 : i32
      scf.if %cond3A_615 {
        %sub3A = arith.constant 3 : i32
        %sub3A_838 = arith.subi %mul3A_318, %sub3A : i32
        %add3A_839 = arith.constant 2 : i32
        %add3A_840 = arith.addi %sub3A_838, %add3A_839 : i32
        %jit3A_841 = arith.constant 2 : i32
        %eq3A_842 = arith.constant 0 : i32
        %eq3A_843 = arith.cmpi eq, %jit3A_841, %eq3A_842 : i32
        %jit3A_844 = arith.constant 1 : i32
        %select_n3A_845 = arith.select %eq3A_843, %jit3A_844, %jit3A_841 : i32
        %rem3A_846 = arith.remsi %add3A_840, %select_n3A_845 : i32
        %ne3A_847 = arith.constant 0 : i32
        %ne3A_848 = arith.cmpi ne, %rem3A_846, %ne3A_847 : i32
        %lt3A_849 = arith.constant 0 : i32
        %lt3A_850 = arith.cmpi slt, %rem3A_846, %lt3A_849 : i32
        %lt3A_851 = arith.constant 0 : i32
        %lt3A_852 = arith.cmpi slt, %select_n3A_845, %lt3A_851 : i32
        %ne3A_853 = arith.xori %lt3A_850, %lt3A_852 : i1
        %and3A_854 = arith.andi %ne3A_853, %ne3A_848 : i1
        %add3A_855 = arith.addi %rem3A_846, %select_n3A_845 : i32
        %select_n3A_856 = arith.select %and3A_854, %add3A_855, %rem3A_846 : i32
        %dma_wait3A_857 = arith.constant 0 : i32
        %dma_wait3A_858 = arith.constant 0 : i32
        %dma_wait3A_859 = tpu.memref_slice %arg6[%dma_wait3A_857, %dma_wait3A_858] : memref<30048x64xf32, #tpu.memory_space<vmem_shared>> -> memref<30048x64xf32, #tpu.memory_space<vmem_shared>>
        tpu.wait_indirect_dma semaphore(%arg34 : memref<!tpu.dma_semaphore, #tpu.memory_space<semaphore_mem>>) src(%arg22 : memref<40x64xf32, #tpu.memory_space<vmem>>) dst(%dma_wait3A_859 : memref<30048x64xf32, #tpu.memory_space<vmem_shared>>)
        %eq3A_860 = arith.cmpi eq, %arg0, %select_n3A_856 : i32
        %convert_element_type3A_861 = arith.extui %eq3A_860 : i1 to i32
        %cond3A_862 = arith.constant 0 : i32
        %cond3A_863 = arith.cmpi ne, %convert_element_type3A_861, %cond3A_862 : i32
        scf.if %cond3A_863 {
          %dma_wait3A_864 = arith.constant 0 : i32
          %dma_wait3A_865 = tpu.memref_slice %arg7[%dma_wait3A_864] : memref<10240xf32, #tpu.memory_space<vmem_shared>> -> memref<10240xf32, #tpu.memory_space<vmem_shared>>
          tpu.wait_indirect_dma semaphore(%arg37 : memref<!tpu.dma_semaphore, #tpu.memory_space<semaphore_mem>>) src(%arg23 : memref<40xf32, #tpu.memory_space<vmem>>) dst(%dma_wait3A_865 : memref<10240xf32, #tpu.memory_space<vmem_shared>>)
        } else {
        }
      } else {
      }
      %add3A_616 = arith.constant 2 : i32
      %add3A_617 = arith.addi %mul3A_318, %add3A_616 : i32
      %mul3A_618 = arith.constant 40 : i32
      %mul3A_619 = arith.muli %add3A_617, %mul3A_618 : i32
      %add3A_620 = arith.addi %mul3A_191, %mul3A_619 : i32
      %dma_wait3A_621 = arith.constant 0 : i32
      %dma_wait3A_622 = tpu.memref_slice %arg3[%dma_wait3A_621, %add3A_620] : memref<3x320640xi32, #tpu.memory_space<hbm>> -> memref<3x40xi32, #tpu.memory_space<hbm>>
      %dma_wait3A_623 = arith.constant 0 : i32
      %dma_wait3A_624 = tpu.memref_slice %arg3[%dma_wait3A_623, %add3A_620] : memref<3x320640xi32, #tpu.memory_space<hbm>> -> memref<3x40xi32, #tpu.memory_space<hbm>>
      tpu.wait_dma2 semaphore(%arg28 : memref<!tpu.dma_semaphore, #tpu.memory_space<semaphore_mem>>) src(%dma_wait3A_624 : memref<3x40xi32, #tpu.memory_space<hbm>>) dst(%arg10 : memref<3x40xi32, #tpu.memory_space<vmem>>)
      %get3A_625 = arith.constant 2 : i32
      %get3A_626 = arith.index_cast %get3A_625 : i32 to index
      %get3A_627 = arith.constant 0 : index
      %get3A_628 = tpu.vector_load %arg10[%get3A_626, %get3A_627] {strides = array<i32>} : memref<3x40xi32, #tpu.memory_space<vmem>>, vector<1x16xi32>,
      %get3A_629 = vector.shape_cast %get3A_628 : vector<1x16xi32> to vector<16xi32>
      %mul3A_630 = arith.constant 10000 : i32
      %mul3A_631 = vector.broadcast %mul3A_630 : i32 to vector<16xi32>
      %mul3A_632 = arith.muli %get3A_629, %mul3A_631 : vector<16xi32>
      %get3A_633 = arith.constant 1 : i32
      %get3A_634 = arith.index_cast %get3A_633 : i32 to index
      %get3A_635 = arith.constant 0 : index
      %get3A_636 = tpu.vector_load %arg10[%get3A_634, %get3A_635] {strides = array<i32>} : memref<3x40xi32, #tpu.memory_space<vmem>>, vector<1x16xi32>,
      %get3A_637 = vector.shape_cast %get3A_636 : vector<1x16xi32> to vector<16xi32>
      %add3A_638 = arith.addi %mul3A_632, %get3A_637 : vector<16xi32>
      %swap3A_639 = arith.constant 0 : index
      %swap3A_640 = tpu.vector_load %arg13[%swap3A_639] {strides = array<i32>} : memref<40xi32, #tpu.memory_space<vmem>>, vector<16xi32>,
      %swap3A_641 = vector.shape_cast %swap3A_640 : vector<16xi32> to vector<16xi32>
      %swap3A_642 = vector.shape_cast %add3A_638 : vector<16xi32> to vector<16xi32>
      tpu.vector_store %arg13[%swap3A_639], %swap3A_642 {strides = array<i32>} : memref<40xi32, #tpu.memory_space<vmem>>, vector<16xi32>,
      %get3A_643 = arith.constant 1 : i32
      %get3A_644 = arith.index_cast %get3A_643 : i32 to index
      %get3A_645 = arith.constant 0 : index
      %get3A_646 = tpu.vector_load %arg10[%get3A_644, %get3A_645] {strides = array<i32>} : memref<3x40xi32, #tpu.memory_space<vmem>>, vector<1x16xi32>,
      %get3A_647 = vector.shape_cast %get3A_646 : vector<1x16xi32> to vector<16xi32>
      %swap3A_648 = arith.constant 0 : index
      %swap3A_649 = tpu.vector_load %arg19[%swap3A_648] {strides = array<i32>} : memref<40xi32, #tpu.memory_space<vmem>>, vector<16xi32>,
      %swap3A_650 = vector.shape_cast %swap3A_649 : vector<16xi32> to vector<16xi32>
      %swap3A_651 = vector.shape_cast %get3A_647 : vector<16xi32> to vector<16xi32>
      tpu.vector_store %arg19[%swap3A_648], %swap3A_651 {strides = array<i32>} : memref<40xi32, #tpu.memory_space<vmem>>, vector<16xi32>,
      %get3A_652 = arith.constant 0 : i32
      %get3A_653 = arith.index_cast %get3A_652 : i32 to index
      %get3A_654 = arith.constant 0 : index
      %get3A_655 = tpu.vector_load %arg10[%get3A_653, %get3A_654] {strides = array<i32>} : memref<3x40xi32, #tpu.memory_space<vmem>>, vector<1x16xi32>,
      %get3A_656 = vector.shape_cast %get3A_655 : vector<1x16xi32> to vector<16xi32>
      %mul3A_657 = arith.constant 2 : i32
      %mul3A_658 = vector.broadcast %mul3A_657 : i32 to vector<16xi32>
      %mul3A_659 = arith.muli %get3A_656, %mul3A_658 : vector<16xi32>
      %add3A_660 = vector.broadcast %arg0 : i32 to vector<16xi32>
      %add3A_661 = arith.addi %mul3A_659, %add3A_660 : vector<16xi32>
      %swap3A_662 = arith.constant 0 : index
      %swap3A_663 = tpu.vector_load %arg16[%swap3A_662] {strides = array<i32>} : memref<40xi32, #tpu.memory_space<vmem>>, vector<16xi32>,
      %swap3A_664 = vector.shape_cast %swap3A_663 : vector<16xi32> to vector<16xi32>
      %swap3A_665 = vector.shape_cast %add3A_661 : vector<16xi32> to vector<16xi32>
      tpu.vector_store %arg16[%swap3A_662], %swap3A_665 {strides = array<i32>} : memref<40xi32, #tpu.memory_space<vmem>>, vector<16xi32>,
      %get3A_666 = arith.constant 2 : i32
      %get3A_667 = arith.index_cast %get3A_666 : i32 to index
      %get3A_668 = arith.constant 16 : index
      %get3A_669 = tpu.vector_load %arg10[%get3A_667, %get3A_668] {strides = array<i32>} : memref<3x40xi32, #tpu.memory_space<vmem>>, vector<1x16xi32>,
      %get3A_670 = vector.shape_cast %get3A_669 : vector<1x16xi32> to vector<16xi32>
      %mul3A_671 = arith.constant 10000 : i32
      %mul3A_672 = vector.broadcast %mul3A_671 : i32 to vector<16xi32>
      %mul3A_673 = arith.muli %get3A_670, %mul3A_672 : vector<16xi32>
      %get3A_674 = arith.constant 1 : i32
      %get3A_675 = arith.index_cast %get3A_674 : i32 to index
      %get3A_676 = arith.constant 16 : index
      %get3A_677 = tpu.vector_load %arg10[%get3A_675, %get3A_676] {strides = array<i32>} : memref<3x40xi32, #tpu.memory_space<vmem>>, vector<1x16xi32>,
      %get3A_678 = vector.shape_cast %get3A_677 : vector<1x16xi32> to vector<16xi32>
      %add3A_679 = arith.addi %mul3A_673, %get3A_678 : vector<16xi32>
      %swap3A_680 = arith.constant 16 : index
      %swap3A_681 = tpu.vector_load %arg13[%swap3A_680] {strides = array<i32>} : memref<40xi32, #tpu.memory_space<vmem>>, vector<16xi32>,
      %swap3A_682 = vector.shape_cast %swap3A_681 : vector<16xi32> to vector<16xi32>
      %swap3A_683 = vector.shape_cast %add3A_679 : vector<16xi32> to vector<16xi32>
      tpu.vector_store %arg13[%swap3A_680], %swap3A_683 {strides = array<i32>} : memref<40xi32, #tpu.memory_space<vmem>>, vector<16xi32>,
      %get3A_684 = arith.constant 1 : i32
      %get3A_685 = arith.index_cast %get3A_684 : i32 to index
      %get3A_686 = arith.constant 16 : index
      %get3A_687 = tpu.vector_load %arg10[%get3A_685, %get3A_686] {strides = array<i32>} : memref<3x40xi32, #tpu.memory_space<vmem>>, vector<1x16xi32>,
      %get3A_688 = vector.shape_cast %get3A_687 : vector<1x16xi32> to vector<16xi32>
      %swap3A_689 = arith.constant 16 : index
      %swap3A_690 = tpu.vector_load %arg19[%swap3A_689] {strides = array<i32>} : memref<40xi32, #tpu.memory_space<vmem>>, vector<16xi32>,
      %swap3A_691 = vector.shape_cast %swap3A_690 : vector<16xi32> to vector<16xi32>
      %swap3A_692 = vector.shape_cast %get3A_688 : vector<16xi32> to vector<16xi32>
      tpu.vector_store %arg19[%swap3A_689], %swap3A_692 {strides = array<i32>} : memref<40xi32, #tpu.memory_space<vmem>>, vector<16xi32>,
      %get3A_693 = arith.constant 0 : i32
      %get3A_694 = arith.index_cast %get3A_693 : i32 to index
      %get3A_695 = arith.constant 16 : index
      %get3A_696 = tpu.vector_load %arg10[%get3A_694, %get3A_695] {strides = array<i32>} : memref<3x40xi32, #tpu.memory_space<vmem>>, vector<1x16xi32>,
      %get3A_697 = vector.shape_cast %get3A_696 : vector<1x16xi32> to vector<16xi32>
      %mul3A_698 = arith.constant 2 : i32
      %mul3A_699 = vector.broadcast %mul3A_698 : i32 to vector<16xi32>
      %mul3A_700 = arith.muli %get3A_697, %mul3A_699 : vector<16xi32>
      %add3A_701 = vector.broadcast %arg0 : i32 to vector<16xi32>
      %add3A_702 = arith.addi %mul3A_700, %add3A_701 : vector<16xi32>
      %swap3A_703 = arith.constant 16 : index
      %swap3A_704 = tpu.vector_load %arg16[%swap3A_703] {strides = array<i32>} : memref<40xi32, #tpu.memory_space<vmem>>, vector<16xi32>,
      %swap3A_705 = vector.shape_cast %swap3A_704 : vector<16xi32> to vector<16xi32>
      %swap3A_706 = vector.shape_cast %add3A_702 : vector<16xi32> to vector<16xi32>
      tpu.vector_store %arg16[%swap3A_703], %swap3A_706 {strides = array<i32>} : memref<40xi32, #tpu.memory_space<vmem>>, vector<16xi32>,
      %get3A_707 = arith.constant 2 : i32
      %get3A_708 = arith.index_cast %get3A_707 : i32 to index
      %get3A_709 = arith.constant 24 : index
      %get3A_710 = tpu.vector_load %arg10[%get3A_708, %get3A_709] {strides = array<i32>} : memref<3x40xi32, #tpu.memory_space<vmem>>, vector<1x16xi32>,
      %get3A_711 = vector.shape_cast %get3A_710 : vector<1x16xi32> to vector<16xi32>
      %mul3A_712 = arith.constant 10000 : i32
      %mul3A_713 = vector.broadcast %mul3A_712 : i32 to vector<16xi32>
      %mul3A_714 = arith.muli %get3A_711, %mul3A_713 : vector<16xi32>
      %get3A_715 = arith.constant 1 : i32
      %get3A_716 = arith.index_cast %get3A_715 : i32 to index
      %get3A_717 = arith.constant 24 : index
      %get3A_718 = tpu.vector_load %arg10[%get3A_716, %get3A_717] {strides = array<i32>} : memref<3x40xi32, #tpu.memory_space<vmem>>, vector<1x16xi32>,
      %get3A_719 = vector.shape_cast %get3A_718 : vector<1x16xi32> to vector<16xi32>
      %add3A_720 = arith.addi %mul3A_714, %get3A_719 : vector<16xi32>
      %swap3A_721 = arith.constant 24 : index
      %swap3A_722 = tpu.vector_load %arg13[%swap3A_721] {strides = array<i32>} : memref<40xi32, #tpu.memory_space<vmem>>, vector<16xi32>,
      %swap3A_723 = vector.shape_cast %swap3A_722 : vector<16xi32> to vector<16xi32>
      %swap3A_724 = vector.shape_cast %add3A_720 : vector<16xi32> to vector<16xi32>
      tpu.vector_store %arg13[%swap3A_721], %swap3A_724 {strides = array<i32>} : memref<40xi32, #tpu.memory_space<vmem>>, vector<16xi32>,
      %get3A_725 = arith.constant 1 : i32
      %get3A_726 = arith.index_cast %get3A_725 : i32 to index
      %get3A_727 = arith.constant 24 : index
      %get3A_728 = tpu.vector_load %arg10[%get3A_726, %get3A_727] {strides = array<i32>} : memref<3x40xi32, #tpu.memory_space<vmem>>, vector<1x16xi32>,
      %get3A_729 = vector.shape_cast %get3A_728 : vector<1x16xi32> to vector<16xi32>
      %swap3A_730 = arith.constant 24 : index
      %swap3A_731 = tpu.vector_load %arg19[%swap3A_730] {strides = array<i32>} : memref<40xi32, #tpu.memory_space<vmem>>, vector<16xi32>,
      %swap3A_732 = vector.shape_cast %swap3A_731 : vector<16xi32> to vector<16xi32>
      %swap3A_733 = vector.shape_cast %get3A_729 : vector<16xi32> to vector<16xi32>
      tpu.vector_store %arg19[%swap3A_730], %swap3A_733 {strides = array<i32>} : memref<40xi32, #tpu.memory_space<vmem>>, vector<16xi32>,
      %get3A_734 = arith.constant 0 : i32
      %get3A_735 = arith.index_cast %get3A_734 : i32 to index
      %get3A_736 = arith.constant 24 : index
      %get3A_737 = tpu.vector_load %arg10[%get3A_735, %get3A_736] {strides = array<i32>} : memref<3x40xi32, #tpu.memory_space<vmem>>, vector<1x16xi32>,
      %get3A_738 = vector.shape_cast %get3A_737 : vector<1x16xi32> to vector<16xi32>
      %mul3A_739 = arith.constant 2 : i32
      %mul3A_740 = vector.broadcast %mul3A_739 : i32 to vector<16xi32>
      %mul3A_741 = arith.muli %get3A_738, %mul3A_740 : vector<16xi32>
      %add3A_742 = vector.broadcast %arg0 : i32 to vector<16xi32>
      %add3A_743 = arith.addi %mul3A_741, %add3A_742 : vector<16xi32>
      %swap3A_744 = arith.constant 24 : index
      %swap3A_745 = tpu.vector_load %arg16[%swap3A_744] {strides = array<i32>} : memref<40xi32, #tpu.memory_space<vmem>>, vector<16xi32>,
      %swap3A_746 = vector.shape_cast %swap3A_745 : vector<16xi32> to vector<16xi32>
      %swap3A_747 = vector.shape_cast %add3A_743 : vector<16xi32> to vector<16xi32>
      tpu.vector_store %arg16[%swap3A_744], %swap3A_747 {strides = array<i32>} : memref<40xi32, #tpu.memory_space<vmem>>, vector<16xi32>,
      %add3A_748 = arith.constant 3 : i32
      %add3A_749 = arith.addi %add3A_617, %add3A_748 : i32
      %lt3A_750 = arith.constant 501 : i32
      %lt3A_751 = arith.cmpi slt, %add3A_749, %lt3A_750 : i32
      %convert_element_type3A_752 = arith.extui %lt3A_751 : i1 to i32
      %cond3A_753 = arith.constant 0 : i32
      %cond3A_754 = arith.cmpi ne, %convert_element_type3A_752, %cond3A_753 : i32
      scf.if %cond3A_754 {
        %add3A_838 = arith.constant 3 : i32
        %add3A_839 = arith.addi %add3A_617, %add3A_838 : i32
        %mul3A_840 = arith.constant 40 : i32
        %mul3A_841 = arith.muli %add3A_839, %mul3A_840 : i32
        %add3A_842 = arith.addi %mul3A_191, %mul3A_841 : i32
        %dma_start3A_843 = arith.constant 0 : i32
        %dma_start3A_844 = tpu.memref_slice %arg3[%dma_start3A_843, %add3A_842] : memref<3x320640xi32, #tpu.memory_space<hbm>> -> memref<3x40xi32, #tpu.memory_space<hbm>>
        %dma_start3A_845 = arith.constant 0 : i32
        %dma_start3A_846 = tpu.memref_slice %arg3[%dma_start3A_845, %add3A_842] : memref<3x320640xi32, #tpu.memory_space<hbm>> -> memref<3x40xi32, #tpu.memory_space<hbm>>
        tpu.enqueue_dma source(%dma_start3A_846 : memref<3x40xi32, #tpu.memory_space<hbm>>) target(%arg10 : memref<3x40xi32, #tpu.memory_space<vmem>>) target_semaphore(%arg28 : memref<!tpu.dma_semaphore, #tpu.memory_space<semaphore_mem>>)
      } else {
      }
      %dma_start3A_755 = arith.constant 0 : i32
      %dma_start3A_756 = arith.constant 0 : i32
      %dma_start3A_757 = tpu.memref_slice %arg2[%dma_start3A_755, %dma_start3A_756] : memref<20000x64xf32, #tpu.memory_space<hbm>> -> memref<20000x64xf32, #tpu.memory_space<hbm>>
      tpu.enqueue_indirect_dma source(%dma_start3A_757 : memref<20000x64xf32, #tpu.memory_space<hbm>>) target(%arg22 : memref<40x64xf32, #tpu.memory_space<vmem>>) offsets(%arg16 : memref<40xi32, #tpu.memory_space<vmem>>) semaphore(%arg31 : memref<!tpu.dma_semaphore, #tpu.memory_space<semaphore_mem>>)
      %add3A_758 = arith.constant 0 : i32
      %add3A_759 = arith.addi %mul3A_318, %add3A_758 : i32
      %dma_wait3A_760 = arith.constant 0 : i32
      %dma_wait3A_761 = arith.constant 0 : i32
      %dma_wait3A_762 = tpu.memref_slice %arg2[%dma_wait3A_760, %dma_wait3A_761] : memref<20000x64xf32, #tpu.memory_space<hbm>> -> memref<20000x64xf32, #tpu.memory_space<hbm>>
      tpu.wait_indirect_dma semaphore(%arg29 : memref<!tpu.dma_semaphore, #tpu.memory_space<semaphore_mem>>) src(%dma_wait3A_762 : memref<20000x64xf32, #tpu.memory_space<hbm>>) dst(%arg20 : memref<40x64xf32, #tpu.memory_space<vmem>>)
      %dma_start3A_763 = arith.constant 0 : i32
      %dma_start3A_764 = arith.constant 0 : i32
      %dma_start3A_765 = tpu.memref_slice %arg6[%dma_start3A_763, %dma_start3A_764] : memref<30048x64xf32, #tpu.memory_space<vmem_shared>> -> memref<30048x64xf32, #tpu.memory_space<vmem_shared>>
      tpu.enqueue_indirect_dma source(%arg20 : memref<40x64xf32, #tpu.memory_space<vmem>>) target(%dma_start3A_765 : memref<30048x64xf32, #tpu.memory_space<vmem_shared>>) offsets(%arg11 : memref<40xi32, #tpu.memory_space<vmem>>) semaphore(%arg32 : memref<!tpu.dma_semaphore, #tpu.memory_space<semaphore_mem>>) {add = true}
      %jit3A = arith.constant 2 : i32
      %eq3A_766 = arith.constant 0 : i32
      %eq3A_767 = arith.cmpi eq, %jit3A, %eq3A_766 : i32
      %jit3A_768 = arith.constant 1 : i32
      %select_n3A = arith.select %eq3A_767, %jit3A_768, %jit3A : i32
      %rem3A = arith.remsi %add3A_759, %select_n3A : i32
      %ne3A = arith.constant 0 : i32
      %ne3A_769 = arith.cmpi ne, %rem3A, %ne3A : i32
      %lt3A_770 = arith.constant 0 : i32
      %lt3A_771 = arith.cmpi slt, %rem3A, %lt3A_770 : i32
      %lt3A_772 = arith.constant 0 : i32
      %lt3A_773 = arith.cmpi slt, %select_n3A, %lt3A_772 : i32
      %ne3A_774 = arith.xori %lt3A_771, %lt3A_773 : i1
      %and3A = arith.andi %ne3A_774, %ne3A_769 : i1
      %add3A_775 = arith.addi %rem3A, %select_n3A : i32
      %select_n3A_776 = arith.select %and3A, %add3A_775, %rem3A : i32
      %eq3A_777 = arith.cmpi eq, %arg0, %select_n3A_776 : i32
      %convert_element_type3A_778 = arith.extui %eq3A_777 : i1 to i32
      %cond3A_779 = arith.constant 0 : i32
      %cond3A_780 = arith.cmpi ne, %convert_element_type3A_778, %cond3A_779 : i32
      scf.if %cond3A_780 {
        %dma_start3A_838 = arith.constant 0 : i32
        %dma_start3A_839 = tpu.memref_slice %arg7[%dma_start3A_838] : memref<10240xf32, #tpu.memory_space<vmem_shared>> -> memref<10240xf32, #tpu.memory_space<vmem_shared>>
        tpu.enqueue_indirect_dma source(%arg23 : memref<40xf32, #tpu.memory_space<vmem>>) target(%dma_start3A_839 : memref<10240xf32, #tpu.memory_space<vmem_shared>>) offsets(%arg17 : memref<40xi32, #tpu.memory_space<vmem>>) semaphore(%arg35 : memref<!tpu.dma_semaphore, #tpu.memory_space<semaphore_mem>>) {add = true}
      } else {
      }
      %add3A_781 = arith.constant 1 : i32
      %add3A_782 = arith.addi %mul3A_318, %add3A_781 : i32
      %dma_wait3A_783 = arith.constant 0 : i32
      %dma_wait3A_784 = arith.constant 0 : i32
      %dma_wait3A_785 = tpu.memref_slice %arg2[%dma_wait3A_783, %dma_wait3A_784] : memref<20000x64xf32, #tpu.memory_space<hbm>> -> memref<20000x64xf32, #tpu.memory_space<hbm>>
      tpu.wait_indirect_dma semaphore(%arg30 : memref<!tpu.dma_semaphore, #tpu.memory_space<semaphore_mem>>) src(%dma_wait3A_785 : memref<20000x64xf32, #tpu.memory_space<hbm>>) dst(%arg21 : memref<40x64xf32, #tpu.memory_space<vmem>>)
      %dma_start3A_786 = arith.constant 0 : i32
      %dma_start3A_787 = arith.constant 0 : i32
      %dma_start3A_788 = tpu.memref_slice %arg6[%dma_start3A_786, %dma_start3A_787] : memref<30048x64xf32, #tpu.memory_space<vmem_shared>> -> memref<30048x64xf32, #tpu.memory_space<vmem_shared>>
      tpu.enqueue_indirect_dma source(%arg21 : memref<40x64xf32, #tpu.memory_space<vmem>>) target(%dma_start3A_788 : memref<30048x64xf32, #tpu.memory_space<vmem_shared>>) offsets(%arg12 : memref<40xi32, #tpu.memory_space<vmem>>) semaphore(%arg33 : memref<!tpu.dma_semaphore, #tpu.memory_space<semaphore_mem>>) {add = true}
      %jit3A_789 = arith.constant 2 : i32
      %eq3A_790 = arith.constant 0 : i32
      %eq3A_791 = arith.cmpi eq, %jit3A_789, %eq3A_790 : i32
      %jit3A_792 = arith.constant 1 : i32
      %select_n3A_793 = arith.select %eq3A_791, %jit3A_792, %jit3A_789 : i32
      %rem3A_794 = arith.remsi %add3A_782, %select_n3A_793 : i32
      %ne3A_795 = arith.constant 0 : i32
      %ne3A_796 = arith.cmpi ne, %rem3A_794, %ne3A_795 : i32
      %lt3A_797 = arith.constant 0 : i32
      %lt3A_798 = arith.cmpi slt, %rem3A_794, %lt3A_797 : i32
      %lt3A_799 = arith.constant 0 : i32
      %lt3A_800 = arith.cmpi slt, %select_n3A_793, %lt3A_799 : i32
      %ne3A_801 = arith.xori %lt3A_798, %lt3A_800 : i1
      %and3A_802 = arith.andi %ne3A_801, %ne3A_796 : i1
      %add3A_803 = arith.addi %rem3A_794, %select_n3A_793 : i32
      %select_n3A_804 = arith.select %and3A_802, %add3A_803, %rem3A_794 : i32
      %eq3A_805 = arith.cmpi eq, %arg0, %select_n3A_804 : i32
      %convert_element_type3A_806 = arith.extui %eq3A_805 : i1 to i32
      %cond3A_807 = arith.constant 0 : i32
      %cond3A_808 = arith.cmpi ne, %convert_element_type3A_806, %cond3A_807 : i32
      scf.if %cond3A_808 {
        %dma_start3A_838 = arith.constant 0 : i32
        %dma_start3A_839 = tpu.memref_slice %arg7[%dma_start3A_838] : memref<10240xf32, #tpu.memory_space<vmem_shared>> -> memref<10240xf32, #tpu.memory_space<vmem_shared>>
        tpu.enqueue_indirect_dma source(%arg23 : memref<40xf32, #tpu.memory_space<vmem>>) target(%dma_start3A_839 : memref<10240xf32, #tpu.memory_space<vmem_shared>>) offsets(%arg18 : memref<40xi32, #tpu.memory_space<vmem>>) semaphore(%arg36 : memref<!tpu.dma_semaphore, #tpu.memory_space<semaphore_mem>>) {add = true}
      } else {
      }
      %add3A_809 = arith.constant 2 : i32
      %add3A_810 = arith.addi %mul3A_318, %add3A_809 : i32
      %dma_wait3A_811 = arith.constant 0 : i32
      %dma_wait3A_812 = arith.constant 0 : i32
      %dma_wait3A_813 = tpu.memref_slice %arg2[%dma_wait3A_811, %dma_wait3A_812] : memref<20000x64xf32, #tpu.memory_space<hbm>> -> memref<20000x64xf32, #tpu.memory_space<hbm>>
      tpu.wait_indirect_dma semaphore(%arg31 : memref<!tpu.dma_semaphore, #tpu.memory_space<semaphore_mem>>) src(%dma_wait3A_813 : memref<20000x64xf32, #tpu.memory_space<hbm>>) dst(%arg22 : memref<40x64xf32, #tpu.memory_space<vmem>>)
      %dma_start3A_814 = arith.constant 0 : i32
      %dma_start3A_815 = arith.constant 0 : i32
      %dma_start3A_816 = tpu.memref_slice %arg6[%dma_start3A_814, %dma_start3A_815] : memref<30048x64xf32, #tpu.memory_space<vmem_shared>> -> memref<30048x64xf32, #tpu.memory_space<vmem_shared>>
      tpu.enqueue_indirect_dma source(%arg22 : memref<40x64xf32, #tpu.memory_space<vmem>>) target(%dma_start3A_816 : memref<30048x64xf32, #tpu.memory_space<vmem_shared>>) offsets(%arg13 : memref<40xi32, #tpu.memory_space<vmem>>) semaphore(%arg34 : memref<!tpu.dma_semaphore, #tpu.memory_space<semaphore_mem>>) {add = true}
      %jit3A_817 = arith.constant 2 : i32
      %eq3A_818 = arith.constant 0 : i32
      %eq3A_819 = arith.cmpi eq, %jit3A_817, %eq3A_818 : i32
      %jit3A_820 = arith.constant 1 : i32
      %select_n3A_821 = arith.select %eq3A_819, %jit3A_820, %jit3A_817 : i32
      %rem3A_822 = arith.remsi %add3A_810, %select_n3A_821 : i32
      %ne3A_823 = arith.constant 0 : i32
      %ne3A_824 = arith.cmpi ne, %rem3A_822, %ne3A_823 : i32
      %lt3A_825 = arith.constant 0 : i32
      %lt3A_826 = arith.cmpi slt, %rem3A_822, %lt3A_825 : i32
      %lt3A_827 = arith.constant 0 : i32
      %lt3A_828 = arith.cmpi slt, %select_n3A_821, %lt3A_827 : i32
      %ne3A_829 = arith.xori %lt3A_826, %lt3A_828 : i1
      %and3A_830 = arith.andi %ne3A_829, %ne3A_824 : i1
      %add3A_831 = arith.addi %rem3A_822, %select_n3A_821 : i32
      %select_n3A_832 = arith.select %and3A_830, %add3A_831, %rem3A_822 : i32
      %eq3A_833 = arith.cmpi eq, %arg0, %select_n3A_832 : i32
      %convert_element_type3A_834 = arith.extui %eq3A_833 : i1 to i32
      %cond3A_835 = arith.constant 0 : i32
      %cond3A_836 = arith.cmpi ne, %convert_element_type3A_834, %cond3A_835 : i32
      scf.if %cond3A_836 {
        %dma_start3A_838 = arith.constant 0 : i32
        %dma_start3A_839 = tpu.memref_slice %arg7[%dma_start3A_838] : memref<10240xf32, #tpu.memory_space<vmem_shared>> -> memref<10240xf32, #tpu.memory_space<vmem_shared>>
        tpu.enqueue_indirect_dma source(%arg23 : memref<40xf32, #tpu.memory_space<vmem>>) target(%dma_start3A_839 : memref<10240xf32, #tpu.memory_space<vmem_shared>>) offsets(%arg19 : memref<40xi32, #tpu.memory_space<vmem>>) semaphore(%arg37 : memref<!tpu.dma_semaphore, #tpu.memory_space<semaphore_mem>>) {add = true}
      } else {
      }
      %scan3A_837 = arith.constant 0 : i32
      scf.yield %scan3A_837 : i32
    }
    %scan3A_216 = arith.constant 167 : i32
    %dma_wait3A_217 = arith.constant 0 : i32
    %dma_wait3A_218 = arith.constant 0 : i32
    %dma_wait3A_219 = tpu.memref_slice %arg6[%dma_wait3A_217, %dma_wait3A_218] : memref<30048x64xf32, #tpu.memory_space<vmem_shared>> -> memref<30048x64xf32, #tpu.memory_space<vmem_shared>>
    tpu.wait_indirect_dma semaphore(%arg32 : memref<!tpu.dma_semaphore, #tpu.memory_space<semaphore_mem>>) src(%arg20 : memref<40x64xf32, #tpu.memory_space<vmem>>) dst(%dma_wait3A_219 : memref<30048x64xf32, #tpu.memory_space<vmem_shared>>)
    %eq3A_220 = arith.constant 0 : i32
    %eq3A_221 = arith.cmpi eq, %arg0, %eq3A_220 : i32
    %convert_element_type3A_222 = arith.extui %eq3A_221 : i1 to i32
    %cond3A_223 = arith.constant 0 : i32
    %cond3A_224 = arith.cmpi ne, %convert_element_type3A_222, %cond3A_223 : i32
    scf.if %cond3A_224 {
      %dma_wait3A_315 = arith.constant 0 : i32
      %dma_wait3A_316 = tpu.memref_slice %arg7[%dma_wait3A_315] : memref<10240xf32, #tpu.memory_space<vmem_shared>> -> memref<10240xf32, #tpu.memory_space<vmem_shared>>
      tpu.wait_indirect_dma semaphore(%arg35 : memref<!tpu.dma_semaphore, #tpu.memory_space<semaphore_mem>>) src(%arg23 : memref<40xf32, #tpu.memory_space<vmem>>) dst(%dma_wait3A_316 : memref<10240xf32, #tpu.memory_space<vmem_shared>>)
    } else {
    }
    %dma_wait3A_225 = arith.constant 0 : i32
    %dma_wait3A_226 = arith.constant 0 : i32
    %dma_wait3A_227 = tpu.memref_slice %arg6[%dma_wait3A_225, %dma_wait3A_226] : memref<30048x64xf32, #tpu.memory_space<vmem_shared>> -> memref<30048x64xf32, #tpu.memory_space<vmem_shared>>
    tpu.wait_indirect_dma semaphore(%arg33 : memref<!tpu.dma_semaphore, #tpu.memory_space<semaphore_mem>>) src(%arg21 : memref<40x64xf32, #tpu.memory_space<vmem>>) dst(%dma_wait3A_227 : memref<30048x64xf32, #tpu.memory_space<vmem_shared>>)
    %eq3A_228 = arith.constant 1 : i32
    %eq3A_229 = arith.cmpi eq, %arg0, %eq3A_228 : i32
    %convert_element_type3A_230 = arith.extui %eq3A_229 : i1 to i32
    %cond3A_231 = arith.constant 0 : i32
    %cond3A_232 = arith.cmpi ne, %convert_element_type3A_230, %cond3A_231 : i32
    scf.if %cond3A_232 {
      %dma_wait3A_315 = arith.constant 0 : i32
      %dma_wait3A_316 = tpu.memref_slice %arg7[%dma_wait3A_315] : memref<10240xf32, #tpu.memory_space<vmem_shared>> -> memref<10240xf32, #tpu.memory_space<vmem_shared>>
      tpu.wait_indirect_dma semaphore(%arg36 : memref<!tpu.dma_semaphore, #tpu.memory_space<semaphore_mem>>) src(%arg23 : memref<40xf32, #tpu.memory_space<vmem>>) dst(%dma_wait3A_316 : memref<10240xf32, #tpu.memory_space<vmem_shared>>)
    } else {
    }
    %dma_wait3A_233 = arith.constant 0 : i32
    %dma_wait3A_234 = arith.constant 0 : i32
    %dma_wait3A_235 = tpu.memref_slice %arg6[%dma_wait3A_233, %dma_wait3A_234] : memref<30048x64xf32, #tpu.memory_space<vmem_shared>> -> memref<30048x64xf32, #tpu.memory_space<vmem_shared>>
    tpu.wait_indirect_dma semaphore(%arg34 : memref<!tpu.dma_semaphore, #tpu.memory_space<semaphore_mem>>) src(%arg22 : memref<40x64xf32, #tpu.memory_space<vmem>>) dst(%dma_wait3A_235 : memref<30048x64xf32, #tpu.memory_space<vmem_shared>>)
    %eq3A_236 = arith.constant 0 : i32
    %eq3A_237 = arith.cmpi eq, %arg0, %eq3A_236 : i32
    %convert_element_type3A_238 = arith.extui %eq3A_237 : i1 to i32
    %cond3A_239 = arith.constant 0 : i32
    %cond3A_240 = arith.cmpi ne, %convert_element_type3A_238, %cond3A_239 : i32
    scf.if %cond3A_240 {
      %dma_wait3A_315 = arith.constant 0 : i32
      %dma_wait3A_316 = tpu.memref_slice %arg7[%dma_wait3A_315] : memref<10240xf32, #tpu.memory_space<vmem_shared>> -> memref<10240xf32, #tpu.memory_space<vmem_shared>>
      tpu.wait_indirect_dma semaphore(%arg37 : memref<!tpu.dma_semaphore, #tpu.memory_space<semaphore_mem>>) src(%arg23 : memref<40xf32, #tpu.memory_space<vmem>>) dst(%dma_wait3A_316 : memref<10240xf32, #tpu.memory_space<vmem_shared>>)
    } else {
    }
    %barrier3A_241 = arith.constant 0 : index
    tpu.barrier barrier_id(%barrier3A_241)
    %lt3A = arith.constant 15 : i32
    %lt3A_242 = arith.cmpi slt, %arg1, %lt3A : i32
    %convert_element_type3A_243 = arith.extui %lt3A_242 : i1 to i32
    %cond3A_244 = arith.constant 0 : i32
    %cond3A_245 = arith.cmpi ne, %convert_element_type3A_243, %cond3A_244 : i32
    scf.if %cond3A_245 {
      %add3A_315 = arith.constant 0 : i32
      %add3A_316 = arith.addi %add3A_315, %mul3A_27 : i32
      %mul3A_317 = arith.constant 64 : i32
      %mul3A_318 = arith.muli %arg0, %mul3A_317 : i32
      %dma_start3A_319 = arith.constant 0 : i32
      %dma_start3A_320 = tpu.memref_slice %arg4[%dma_start3A_319, %mul3A_27, %mul3A_318] : memref<3x10000x128xf32, #tpu.memory_space<hbm>> -> memref<1x624x64xf32, #tpu.memory_space<hbm>>
      %dma_start3A_321 = tpu.memref_squeeze %dma_start3A_320 : memref<1x624x64xf32, #tpu.memory_space<hbm>> -> memref<624x64xf32, #tpu.memory_space<hbm>>
      %dma_start3A_322 = arith.constant 0 : i32
      %dma_start3A_323 = tpu.memref_slice %arg6[%add3A_316, %dma_start3A_322] : memref<30048x64xf32, #tpu.memory_space<vmem_shared>> -> memref<624x64xf32, #tpu.memory_space<vmem_shared>>
      tpu.enqueue_dma source(%dma_start3A_323 : memref<624x64xf32, #tpu.memory_space<vmem_shared>>) target(%dma_start3A_321 : memref<624x64xf32, #tpu.memory_space<hbm>>) target_semaphore(%arg38 : memref<!tpu.dma_semaphore, #tpu.memory_space<semaphore_mem>>)
    } else {
    }
    %eq3A_246 = arith.constant 15 : i32
    %eq3A_247 = arith.cmpi eq, %arg1, %eq3A_246 : i32
    %convert_element_type3A_248 = arith.extui %eq3A_247 : i1 to i32
    %cond3A_249 = arith.constant 0 : i32
    %cond3A_250 = arith.cmpi ne, %convert_element_type3A_248, %cond3A_249 : i32
    scf.if %cond3A_250 {
      %add3A_315 = arith.constant 0 : i32
      %add3A_316 = arith.addi %add3A_315, %mul3A_27 : i32
      %mul3A_317 = arith.constant 64 : i32
      %mul3A_318 = arith.muli %arg0, %mul3A_317 : i32
      %dma_start3A_319 = arith.constant 0 : i32
      %dma_start3A_320 = tpu.memref_slice %arg4[%dma_start3A_319, %mul3A_27, %mul3A_318] : memref<3x10000x128xf32, #tpu.memory_space<hbm>> -> memref<1x640x64xf32, #tpu.memory_space<hbm>>
      %dma_start3A_321 = tpu.memref_squeeze %dma_start3A_320 : memref<1x640x64xf32, #tpu.memory_space<hbm>> -> memref<640x64xf32, #tpu.memory_space<hbm>>
      %dma_start3A_322 = arith.constant 0 : i32
      %dma_start3A_323 = tpu.memref_slice %arg6[%add3A_316, %dma_start3A_322] : memref<30048x64xf32, #tpu.memory_space<vmem_shared>> -> memref<640x64xf32, #tpu.memory_space<vmem_shared>>
      tpu.enqueue_dma source(%dma_start3A_323 : memref<640x64xf32, #tpu.memory_space<vmem_shared>>) target(%dma_start3A_321 : memref<640x64xf32, #tpu.memory_space<hbm>>) target_semaphore(%arg38 : memref<!tpu.dma_semaphore, #tpu.memory_space<semaphore_mem>>)
    } else {
    }
    %lt3A_251 = arith.constant 15 : i32
    %lt3A_252 = arith.cmpi slt, %arg1, %lt3A_251 : i32
    %convert_element_type3A_253 = arith.extui %lt3A_252 : i1 to i32
    %cond3A_254 = arith.constant 0 : i32
    %cond3A_255 = arith.cmpi ne, %convert_element_type3A_253, %cond3A_254 : i32
    scf.if %cond3A_255 {
      %add3A_315 = arith.constant 10000 : i32
      %add3A_316 = arith.addi %add3A_315, %mul3A_27 : i32
      %mul3A_317 = arith.constant 64 : i32
      %mul3A_318 = arith.muli %arg0, %mul3A_317 : i32
      %dma_start3A_319 = arith.constant 1 : i32
      %dma_start3A_320 = tpu.memref_slice %arg4[%dma_start3A_319, %mul3A_27, %mul3A_318] : memref<3x10000x128xf32, #tpu.memory_space<hbm>> -> memref<1x624x64xf32, #tpu.memory_space<hbm>>
      %dma_start3A_321 = tpu.memref_squeeze %dma_start3A_320 : memref<1x624x64xf32, #tpu.memory_space<hbm>> -> memref<624x64xf32, #tpu.memory_space<hbm>>
      %dma_start3A_322 = arith.constant 0 : i32
      %dma_start3A_323 = tpu.memref_slice %arg6[%add3A_316, %dma_start3A_322] : memref<30048x64xf32, #tpu.memory_space<vmem_shared>> -> memref<624x64xf32, #tpu.memory_space<vmem_shared>>
      tpu.enqueue_dma source(%dma_start3A_323 : memref<624x64xf32, #tpu.memory_space<vmem_shared>>) target(%dma_start3A_321 : memref<624x64xf32, #tpu.memory_space<hbm>>) target_semaphore(%arg38 : memref<!tpu.dma_semaphore, #tpu.memory_space<semaphore_mem>>)
    } else {
    }
    %eq3A_256 = arith.constant 15 : i32
    %eq3A_257 = arith.cmpi eq, %arg1, %eq3A_256 : i32
    %convert_element_type3A_258 = arith.extui %eq3A_257 : i1 to i32
    %cond3A_259 = arith.constant 0 : i32
    %cond3A_260 = arith.cmpi ne, %convert_element_type3A_258, %cond3A_259 : i32
    scf.if %cond3A_260 {
      %add3A_315 = arith.constant 10000 : i32
      %add3A_316 = arith.addi %add3A_315, %mul3A_27 : i32
      %mul3A_317 = arith.constant 64 : i32
      %mul3A_318 = arith.muli %arg0, %mul3A_317 : i32
      %dma_start3A_319 = arith.constant 1 : i32
      %dma_start3A_320 = tpu.memref_slice %arg4[%dma_start3A_319, %mul3A_27, %mul3A_318] : memref<3x10000x128xf32, #tpu.memory_space<hbm>> -> memref<1x640x64xf32, #tpu.memory_space<hbm>>
      %dma_start3A_321 = tpu.memref_squeeze %dma_start3A_320 : memref<1x640x64xf32, #tpu.memory_space<hbm>> -> memref<640x64xf32, #tpu.memory_space<hbm>>
      %dma_start3A_322 = arith.constant 0 : i32
      %dma_start3A_323 = tpu.memref_slice %arg6[%add3A_316, %dma_start3A_322] : memref<30048x64xf32, #tpu.memory_space<vmem_shared>> -> memref<640x64xf32, #tpu.memory_space<vmem_shared>>
      tpu.enqueue_dma source(%dma_start3A_323 : memref<640x64xf32, #tpu.memory_space<vmem_shared>>) target(%dma_start3A_321 : memref<640x64xf32, #tpu.memory_space<hbm>>) target_semaphore(%arg38 : memref<!tpu.dma_semaphore, #tpu.memory_space<semaphore_mem>>)
    } else {
    }
    %lt3A_261 = arith.constant 15 : i32
    %lt3A_262 = arith.cmpi slt, %arg1, %lt3A_261 : i32
    %convert_element_type3A_263 = arith.extui %lt3A_262 : i1 to i32
    %cond3A_264 = arith.constant 0 : i32
    %cond3A_265 = arith.cmpi ne, %convert_element_type3A_263, %cond3A_264 : i32
    scf.if %cond3A_265 {
      %add3A_315 = arith.constant 20000 : i32
      %add3A_316 = arith.addi %add3A_315, %mul3A_27 : i32
      %mul3A_317 = arith.constant 64 : i32
      %mul3A_318 = arith.muli %arg0, %mul3A_317 : i32
      %dma_start3A_319 = arith.constant 2 : i32
      %dma_start3A_320 = tpu.memref_slice %arg4[%dma_start3A_319, %mul3A_27, %mul3A_318] : memref<3x10000x128xf32, #tpu.memory_space<hbm>> -> memref<1x624x64xf32, #tpu.memory_space<hbm>>
      %dma_start3A_321 = tpu.memref_squeeze %dma_start3A_320 : memref<1x624x64xf32, #tpu.memory_space<hbm>> -> memref<624x64xf32, #tpu.memory_space<hbm>>
      %dma_start3A_322 = arith.constant 0 : i32
      %dma_start3A_323 = tpu.memref_slice %arg6[%add3A_316, %dma_start3A_322] : memref<30048x64xf32, #tpu.memory_space<vmem_shared>> -> memref<624x64xf32, #tpu.memory_space<vmem_shared>>
      tpu.enqueue_dma source(%dma_start3A_323 : memref<624x64xf32, #tpu.memory_space<vmem_shared>>) target(%dma_start3A_321 : memref<624x64xf32, #tpu.memory_space<hbm>>) target_semaphore(%arg38 : memref<!tpu.dma_semaphore, #tpu.memory_space<semaphore_mem>>)
    } else {
    }
    %eq3A_266 = arith.constant 15 : i32
    %eq3A_267 = arith.cmpi eq, %arg1, %eq3A_266 : i32
    %convert_element_type3A_268 = arith.extui %eq3A_267 : i1 to i32
    %cond3A_269 = arith.constant 0 : i32
    %cond3A_270 = arith.cmpi ne, %convert_element_type3A_268, %cond3A_269 : i32
    scf.if %cond3A_270 {
      %add3A_315 = arith.constant 20000 : i32
      %add3A_316 = arith.addi %add3A_315, %mul3A_27 : i32
      %mul3A_317 = arith.constant 64 : i32
      %mul3A_318 = arith.muli %arg0, %mul3A_317 : i32
      %dma_start3A_319 = arith.constant 2 : i32
      %dma_start3A_320 = tpu.memref_slice %arg4[%dma_start3A_319, %mul3A_27, %mul3A_318] : memref<3x10000x128xf32, #tpu.memory_space<hbm>> -> memref<1x640x64xf32, #tpu.memory_space<hbm>>
      %dma_start3A_321 = tpu.memref_squeeze %dma_start3A_320 : memref<1x640x64xf32, #tpu.memory_space<hbm>> -> memref<640x64xf32, #tpu.memory_space<hbm>>
      %dma_start3A_322 = arith.constant 0 : i32
      %dma_start3A_323 = tpu.memref_slice %arg6[%add3A_316, %dma_start3A_322] : memref<30048x64xf32, #tpu.memory_space<vmem_shared>> -> memref<640x64xf32, #tpu.memory_space<vmem_shared>>
      tpu.enqueue_dma source(%dma_start3A_323 : memref<640x64xf32, #tpu.memory_space<vmem_shared>>) target(%dma_start3A_321 : memref<640x64xf32, #tpu.memory_space<hbm>>) target_semaphore(%arg38 : memref<!tpu.dma_semaphore, #tpu.memory_space<semaphore_mem>>)
    } else {
    }
    %mul3A_271 = arith.constant 640 : i32
    %mul3A_272 = arith.muli %arg1, %mul3A_271 : i32
    %mul3A_273 = arith.constant 640 : i32
    %mul3A_274 = arith.muli %arg1, %mul3A_273 : i32
    %dma_start3A_275 = tpu.memref_slice %arg5[%arg0, %mul3A_274] : memref<2x10240xf32, #tpu.memory_space<hbm>> -> memref<1x640xf32, #tpu.memory_space<hbm>>
    %dma_start3A_276 = tpu.memref_squeeze %dma_start3A_275 : memref<1x640xf32, #tpu.memory_space<hbm>> -> memref<640xf32, #tpu.memory_space<hbm>>
    %dma_start3A_277 = tpu.memref_slice %arg7[%mul3A_272] : memref<10240xf32, #tpu.memory_space<vmem_shared>> -> memref<640xf32, #tpu.memory_space<vmem_shared>>
    tpu.enqueue_dma source(%dma_start3A_277 : memref<640xf32, #tpu.memory_space<vmem_shared>>) target(%dma_start3A_276 : memref<640xf32, #tpu.memory_space<hbm>>) target_semaphore(%arg38 : memref<!tpu.dma_semaphore, #tpu.memory_space<semaphore_mem>>)
    %lt3A_278 = arith.constant 15 : i32
    %lt3A_279 = arith.cmpi slt, %arg1, %lt3A_278 : i32
    %convert_element_type3A_280 = arith.extui %lt3A_279 : i1 to i32
    %cond3A_281 = arith.constant 0 : i32
    %cond3A_282 = arith.cmpi ne, %convert_element_type3A_280, %cond3A_281 : i32
    scf.if %cond3A_282 {
      %add3A_315 = arith.constant 0 : i32
      %add3A_316 = arith.addi %add3A_315, %mul3A_27 : i32
      %mul3A_317 = arith.constant 64 : i32
      %mul3A_318 = arith.muli %arg0, %mul3A_317 : i32
      %dma_wait3A_319 = arith.constant 0 : i32
      %dma_wait3A_320 = tpu.memref_slice %arg4[%dma_wait3A_319, %mul3A_27, %mul3A_318] : memref<3x10000x128xf32, #tpu.memory_space<hbm>> -> memref<1x624x64xf32, #tpu.memory_space<hbm>>
      %dma_wait3A_321 = tpu.memref_squeeze %dma_wait3A_320 : memref<1x624x64xf32, #tpu.memory_space<hbm>> -> memref<624x64xf32, #tpu.memory_space<hbm>>
      %dma_wait3A_322 = arith.constant 0 : i32
      %dma_wait3A_323 = tpu.memref_slice %arg6[%add3A_316, %dma_wait3A_322] : memref<30048x64xf32, #tpu.memory_space<vmem_shared>> -> memref<624x64xf32, #tpu.memory_space<vmem_shared>>
      tpu.wait_dma2 semaphore(%arg38 : memref<!tpu.dma_semaphore, #tpu.memory_space<semaphore_mem>>) src(%dma_wait3A_323 : memref<624x64xf32, #tpu.memory_space<vmem_shared>>) dst(%dma_wait3A_321 : memref<624x64xf32, #tpu.memory_space<hbm>>)
    } else {
    }
    %eq3A_283 = arith.constant 15 : i32
    %eq3A_284 = arith.cmpi eq, %arg1, %eq3A_283 : i32
    %convert_element_type3A_285 = arith.extui %eq3A_284 : i1 to i32
    %cond3A_286 = arith.constant 0 : i32
    %cond3A_287 = arith.cmpi ne, %convert_element_type3A_285, %cond3A_286 : i32
    scf.if %cond3A_287 {
      %add3A_315 = arith.constant 0 : i32
      %add3A_316 = arith.addi %add3A_315, %mul3A_27 : i32
      %mul3A_317 = arith.constant 64 : i32
      %mul3A_318 = arith.muli %arg0, %mul3A_317 : i32
      %dma_wait3A_319 = arith.constant 0 : i32
      %dma_wait3A_320 = tpu.memref_slice %arg4[%dma_wait3A_319, %mul3A_27, %mul3A_318] : memref<3x10000x128xf32, #tpu.memory_space<hbm>> -> memref<1x640x64xf32, #tpu.memory_space<hbm>>
      %dma_wait3A_321 = tpu.memref_squeeze %dma_wait3A_320 : memref<1x640x64xf32, #tpu.memory_space<hbm>> -> memref<640x64xf32, #tpu.memory_space<hbm>>
      %dma_wait3A_322 = arith.constant 0 : i32
      %dma_wait3A_323 = tpu.memref_slice %arg6[%add3A_316, %dma_wait3A_322] : memref<30048x64xf32, #tpu.memory_space<vmem_shared>> -> memref<640x64xf32, #tpu.memory_space<vmem_shared>>
      tpu.wait_dma2 semaphore(%arg38 : memref<!tpu.dma_semaphore, #tpu.memory_space<semaphore_mem>>) src(%dma_wait3A_323 : memref<640x64xf32, #tpu.memory_space<vmem_shared>>) dst(%dma_wait3A_321 : memref<640x64xf32, #tpu.memory_space<hbm>>)
    } else {
    }
    %lt3A_288 = arith.constant 15 : i32
    %lt3A_289 = arith.cmpi slt, %arg1, %lt3A_288 : i32
    %convert_element_type3A_290 = arith.extui %lt3A_289 : i1 to i32
    %cond3A_291 = arith.constant 0 : i32
    %cond3A_292 = arith.cmpi ne, %convert_element_type3A_290, %cond3A_291 : i32
    scf.if %cond3A_292 {
      %add3A_315 = arith.constant 10000 : i32
      %add3A_316 = arith.addi %add3A_315, %mul3A_27 : i32
      %mul3A_317 = arith.constant 64 : i32
      %mul3A_318 = arith.muli %arg0, %mul3A_317 : i32
      %dma_wait3A_319 = arith.constant 1 : i32
      %dma_wait3A_320 = tpu.memref_slice %arg4[%dma_wait3A_319, %mul3A_27, %mul3A_318] : memref<3x10000x128xf32, #tpu.memory_space<hbm>> -> memref<1x624x64xf32, #tpu.memory_space<hbm>>
      %dma_wait3A_321 = tpu.memref_squeeze %dma_wait3A_320 : memref<1x624x64xf32, #tpu.memory_space<hbm>> -> memref<624x64xf32, #tpu.memory_space<hbm>>
      %dma_wait3A_322 = arith.constant 0 : i32
      %dma_wait3A_323 = tpu.memref_slice %arg6[%add3A_316, %dma_wait3A_322] : memref<30048x64xf32, #tpu.memory_space<vmem_shared>> -> memref<624x64xf32, #tpu.memory_space<vmem_shared>>
      tpu.wait_dma2 semaphore(%arg38 : memref<!tpu.dma_semaphore, #tpu.memory_space<semaphore_mem>>) src(%dma_wait3A_323 : memref<624x64xf32, #tpu.memory_space<vmem_shared>>) dst(%dma_wait3A_321 : memref<624x64xf32, #tpu.memory_space<hbm>>)
    } else {
    }
    %eq3A_293 = arith.constant 15 : i32
    %eq3A_294 = arith.cmpi eq, %arg1, %eq3A_293 : i32
    %convert_element_type3A_295 = arith.extui %eq3A_294 : i1 to i32
    %cond3A_296 = arith.constant 0 : i32
    %cond3A_297 = arith.cmpi ne, %convert_element_type3A_295, %cond3A_296 : i32
    scf.if %cond3A_297 {
      %add3A_315 = arith.constant 10000 : i32
      %add3A_316 = arith.addi %add3A_315, %mul3A_27 : i32
      %mul3A_317 = arith.constant 64 : i32
      %mul3A_318 = arith.muli %arg0, %mul3A_317 : i32
      %dma_wait3A_319 = arith.constant 1 : i32
      %dma_wait3A_320 = tpu.memref_slice %arg4[%dma_wait3A_319, %mul3A_27, %mul3A_318] : memref<3x10000x128xf32, #tpu.memory_space<hbm>> -> memref<1x640x64xf32, #tpu.memory_space<hbm>>
      %dma_wait3A_321 = tpu.memref_squeeze %dma_wait3A_320 : memref<1x640x64xf32, #tpu.memory_space<hbm>> -> memref<640x64xf32, #tpu.memory_space<hbm>>
      %dma_wait3A_322 = arith.constant 0 : i32
      %dma_wait3A_323 = tpu.memref_slice %arg6[%add3A_316, %dma_wait3A_322] : memref<30048x64xf32, #tpu.memory_space<vmem_shared>> -> memref<640x64xf32, #tpu.memory_space<vmem_shared>>
      tpu.wait_dma2 semaphore(%arg38 : memref<!tpu.dma_semaphore, #tpu.memory_space<semaphore_mem>>) src(%dma_wait3A_323 : memref<640x64xf32, #tpu.memory_space<vmem_shared>>) dst(%dma_wait3A_321 : memref<640x64xf32, #tpu.memory_space<hbm>>)
    } else {
    }
    %lt3A_298 = arith.constant 15 : i32
    %lt3A_299 = arith.cmpi slt, %arg1, %lt3A_298 : i32
    %convert_element_type3A_300 = arith.extui %lt3A_299 : i1 to i32
    %cond3A_301 = arith.constant 0 : i32
    %cond3A_302 = arith.cmpi ne, %convert_element_type3A_300, %cond3A_301 : i32
    scf.if %cond3A_302 {
      %add3A_315 = arith.constant 20000 : i32
      %add3A_316 = arith.addi %add3A_315, %mul3A_27 : i32
      %mul3A_317 = arith.constant 64 : i32
      %mul3A_318 = arith.muli %arg0, %mul3A_317 : i32
      %dma_wait3A_319 = arith.constant 2 : i32
      %dma_wait3A_320 = tpu.memref_slice %arg4[%dma_wait3A_319, %mul3A_27, %mul3A_318] : memref<3x10000x128xf32, #tpu.memory_space<hbm>> -> memref<1x624x64xf32, #tpu.memory_space<hbm>>
      %dma_wait3A_321 = tpu.memref_squeeze %dma_wait3A_320 : memref<1x624x64xf32, #tpu.memory_space<hbm>> -> memref<624x64xf32, #tpu.memory_space<hbm>>
      %dma_wait3A_322 = arith.constant 0 : i32
      %dma_wait3A_323 = tpu.memref_slice %arg6[%add3A_316, %dma_wait3A_322] : memref<30048x64xf32, #tpu.memory_space<vmem_shared>> -> memref<624x64xf32, #tpu.memory_space<vmem_shared>>
      tpu.wait_dma2 semaphore(%arg38 : memref<!tpu.dma_semaphore, #tpu.memory_space<semaphore_mem>>) src(%dma_wait3A_323 : memref<624x64xf32, #tpu.memory_space<vmem_shared>>) dst(%dma_wait3A_321 : memref<624x64xf32, #tpu.memory_space<hbm>>)
    } else {
    }
    %eq3A_303 = arith.constant 15 : i32
    %eq3A_304 = arith.cmpi eq, %arg1, %eq3A_303 : i32
    %convert_element_type3A_305 = arith.extui %eq3A_304 : i1 to i32
    %cond3A_306 = arith.constant 0 : i32
    %cond3A_307 = arith.cmpi ne, %convert_element_type3A_305, %cond3A_306 : i32
    scf.if %cond3A_307 {
      %add3A_315 = arith.constant 20000 : i32
      %add3A_316 = arith.addi %add3A_315, %mul3A_27 : i32
      %mul3A_317 = arith.constant 64 : i32
      %mul3A_318 = arith.muli %arg0, %mul3A_317 : i32
      %dma_wait3A_319 = arith.constant 2 : i32
      %dma_wait3A_320 = tpu.memref_slice %arg4[%dma_wait3A_319, %mul3A_27, %mul3A_318] : memref<3x10000x128xf32, #tpu.memory_space<hbm>> -> memref<1x640x64xf32, #tpu.memory_space<hbm>>
      %dma_wait3A_321 = tpu.memref_squeeze %dma_wait3A_320 : memref<1x640x64xf32, #tpu.memory_space<hbm>> -> memref<640x64xf32, #tpu.memory_space<hbm>>
      %dma_wait3A_322 = arith.constant 0 : i32
      %dma_wait3A_323 = tpu.memref_slice %arg6[%add3A_316, %dma_wait3A_322] : memref<30048x64xf32, #tpu.memory_space<vmem_shared>> -> memref<640x64xf32, #tpu.memory_space<vmem_shared>>
      tpu.wait_dma2 semaphore(%arg38 : memref<!tpu.dma_semaphore, #tpu.memory_space<semaphore_mem>>) src(%dma_wait3A_323 : memref<640x64xf32, #tpu.memory_space<vmem_shared>>) dst(%dma_wait3A_321 : memref<640x64xf32, #tpu.memory_space<hbm>>)
    } else {
    }
    %mul3A_308 = arith.constant 640 : i32
    %mul3A_309 = arith.muli %arg1, %mul3A_308 : i32
    %mul3A_310 = arith.constant 640 : i32
    %mul3A_311 = arith.muli %arg1, %mul3A_310 : i32
    %dma_wait3A_312 = tpu.memref_slice %arg5[%arg0, %mul3A_311] : memref<2x10240xf32, #tpu.memory_space<hbm>> -> memref<1x640xf32, #tpu.memory_space<hbm>>
    %dma_wait3A_313 = tpu.memref_squeeze %dma_wait3A_312 : memref<1x640xf32, #tpu.memory_space<hbm>> -> memref<640xf32, #tpu.memory_space<hbm>>
    %dma_wait3A_314 = tpu.memref_slice %arg7[%mul3A_309] : memref<10240xf32, #tpu.memory_space<vmem_shared>> -> memref<640xf32, #tpu.memory_space<vmem_shared>>
    tpu.wait_dma2 semaphore(%arg38 : memref<!tpu.dma_semaphore, #tpu.memory_space<semaphore_mem>>) src(%dma_wait3A_314 : memref<640xf32, #tpu.memory_space<vmem_shared>>) dst(%dma_wait3A_313 : memref<640xf32, #tpu.memory_space<hbm>>)
    return
  }
}

module attributes {stable_mosaic.version = 14 : i64} {
  func.func @_tc_body(%arg0: i32, %arg1: memref<3x2000x128xf32, #tpu.memory_space<vmem>>, %arg2: memref<2000x1xf32, #tpu.memory_space<vmem>>, %arg3: memref<2000x128xf32, #tpu.memory_space<vmem>>, %arg4: memref<8x128xf32, #tpu.memory_space<vmem>>, %arg5: memref<3x128x192xf32, #tpu.memory_space<vmem>>, %arg6: memref<128x192xf32, #tpu.memory_space<vmem>>, %arg7: memref<1x64xf32, #tpu.memory_space<vmem>>, %arg8: memref<1x64xf32, #tpu.memory_space<vmem>>, %arg9: memref<1x64xf32, #tpu.memory_space<vmem>>, %arg10: memref<2000x64xf32, #tpu.memory_space<vmem>>, %arg11: memref<2000x64xf32, #tpu.memory_space<vmem>>) attributes {dimension_semantics = [#tpu.dimension_semantics<arbitrary>], iteration_bounds = array<i64: 5>, scalar_prefetch = 0 : i64, scratch_operands = 0 : i64, tpu.core_type = #tpu.core_type<tc>, window_params = [{transform_indices = @transform_0, window_bounds = array<i64: 3, 2000, 128>}, {transform_indices = @transform_1, window_bounds = array<i64: 2000, 1>}, {transform_indices = @transform_2, window_bounds = array<i64: 2000, 128>}, {pipeline_mode = #tpu.pipeline_mode<synchronous>, transform_indices = @transform_3, window_bounds = array<i64: 8, 128>}, {pipeline_mode = #tpu.pipeline_mode<synchronous>, transform_indices = @transform_4, window_bounds = array<i64: 3, 128, 192>}, {pipeline_mode = #tpu.pipeline_mode<synchronous>, transform_indices = @transform_5, window_bounds = array<i64: 128, 192>}, {pipeline_mode = #tpu.pipeline_mode<synchronous>, transform_indices = @transform_6, window_bounds = array<i64: 1, 64>}, {pipeline_mode = #tpu.pipeline_mode<synchronous>, transform_indices = @transform_7, window_bounds = array<i64: 1, 64>}, {pipeline_mode = #tpu.pipeline_mode<synchronous>, transform_indices = @transform_8, window_bounds = array<i64: 1, 64>}, {transform_indices = @transform_9, window_bounds = array<i64: 2000, 64>}, {transform_indices = @transform_10, window_bounds = array<i64: 2000, 64>}]} {
    %get3A = arith.constant 0 : index
    %get3A_0 = arith.constant 0 : index
    %get3A_1 = vector.load %arg4[%get3A, %get3A_0] : memref<8x128xf32, #tpu.memory_space<vmem>>, vector<8x128xf32>
    %get3A_2 = arith.constant 0 : index
    %get3A_3 = arith.constant 0 : index
    %get3A_4 = vector.load %arg2[%get3A_2, %get3A_3] : memref<2000x1xf32, #tpu.memory_space<vmem>>, vector<2000x1xf32>
    %max3A = arith.constant 1.000000e+00 : f32
    %max3A_5 = vector.broadcast %max3A : f32 to vector<2000x1xf32>
    %max3A_6 = arith.maximumf %get3A_4, %max3A_5 : vector<2000x1xf32>
    %div3A = arith.constant 1.000000e+00 : f32
    %div3A_7 = vector.broadcast %div3A : f32 to vector<2000x1xf32>
    %div3A_8 = arith.divf %div3A_7, %max3A_6 : vector<2000x1xf32>
    %broadcast_in_dim3A = arith.constant 0.000000e+00 : f32
    %broadcast_in_dim3A_9 = vector.broadcast %broadcast_in_dim3A : f32 to vector<2000x192xf32>
    %slice3A = vector.extract_strided_slice %get3A_1 {offsets = [0, 0], sizes = [1, 1], strides = [1, 1]} : vector<8x128xf32> to vector<1x1xf32>
    %squeeze3A = vector.extract %slice3A[0, 0] : f32 from vector<1x1xf32>
    %get3A_10 = arith.constant 0 : index
    %get3A_11 = arith.constant 0 : index
    %get3A_12 = arith.constant 0 : index
    %get3A_13 = vector.load %arg5[%get3A_10, %get3A_11, %get3A_12] : memref<3x128x192xf32, #tpu.memory_space<vmem>>, vector<1x128x192xf32>
    %get3A_14 = vector.shape_cast %get3A_13 : vector<1x128x192xf32> to vector<128x192xf32>
    %mul3A = vector.broadcast %squeeze3A : f32 to vector<128x192xf32>
    %mul3A_15 = arith.mulf %mul3A, %get3A_14 : vector<128x192xf32>
    %slice3A_16 = vector.extract_strided_slice %get3A_1 {offsets = [0, 1], sizes = [1, 1], strides = [1, 1]} : vector<8x128xf32> to vector<1x1xf32>
    %squeeze3A_17 = vector.extract %slice3A_16[0, 0] : f32 from vector<1x1xf32>
    %get3A_18 = arith.constant 1 : index
    %get3A_19 = arith.constant 0 : index
    %get3A_20 = arith.constant 0 : index
    %get3A_21 = vector.load %arg5[%get3A_18, %get3A_19, %get3A_20] : memref<3x128x192xf32, #tpu.memory_space<vmem>>, vector<1x128x192xf32>
    %get3A_22 = vector.shape_cast %get3A_21 : vector<1x128x192xf32> to vector<128x192xf32>
    %mul3A_23 = vector.broadcast %squeeze3A_17 : f32 to vector<128x192xf32>
    %mul3A_24 = arith.mulf %mul3A_23, %get3A_22 : vector<128x192xf32>
    %add3A = arith.addf %mul3A_15, %mul3A_24 : vector<128x192xf32>
    %slice3A_25 = vector.extract_strided_slice %get3A_1 {offsets = [0, 2], sizes = [1, 1], strides = [1, 1]} : vector<8x128xf32> to vector<1x1xf32>
    %squeeze3A_26 = vector.extract %slice3A_25[0, 0] : f32 from vector<1x1xf32>
    %get3A_27 = arith.constant 2 : index
    %get3A_28 = arith.constant 0 : index
    %get3A_29 = arith.constant 0 : index
    %get3A_30 = vector.load %arg5[%get3A_27, %get3A_28, %get3A_29] : memref<3x128x192xf32, #tpu.memory_space<vmem>>, vector<1x128x192xf32>
    %get3A_31 = vector.shape_cast %get3A_30 : vector<1x128x192xf32> to vector<128x192xf32>
    %mul3A_32 = vector.broadcast %squeeze3A_26 : f32 to vector<128x192xf32>
    %mul3A_33 = arith.mulf %mul3A_32, %get3A_31 : vector<128x192xf32>
    %add3A_34 = arith.addf %add3A, %mul3A_33 : vector<128x192xf32>
    %get3A_35 = arith.constant 0 : index
    %get3A_36 = arith.constant 0 : index
    %get3A_37 = arith.constant 0 : index
    %get3A_38 = vector.load %arg1[%get3A_35, %get3A_36, %get3A_37] : memref<3x2000x128xf32, #tpu.memory_space<vmem>>, vector<1x2000x128xf32>
    %get3A_39 = vector.shape_cast %get3A_38 : vector<1x2000x128xf32> to vector<2000x128xf32>
    %dot_general3A = arith.constant dense<0.000000e+00> : vector<2000x192xf32>
    %dot_general3A_40 = tpu.matmul %get3A_39, %add3A_34, %dot_general3A {dimension_numbers = #tpu.dot_dimension_numbers<[1], [0], [0], [1], [0, 0, 1, 1], [], []>, transpose_lhs_hint = false} : vector<2000x128xf32>, vector<128x192xf32>, vector<2000x192xf32> -> vector<2000x192xf32>
    %add3A_41 = arith.addf %broadcast_in_dim3A_9, %dot_general3A_40 : vector<2000x192xf32>
    %slice3A_42 = vector.extract_strided_slice %get3A_1 {offsets = [1, 0], sizes = [1, 1], strides = [1, 1]} : vector<8x128xf32> to vector<1x1xf32>
    %squeeze3A_43 = vector.extract %slice3A_42[0, 0] : f32 from vector<1x1xf32>
    %get3A_44 = arith.constant 0 : index
    %get3A_45 = arith.constant 0 : index
    %get3A_46 = arith.constant 0 : index
    %get3A_47 = vector.load %arg5[%get3A_44, %get3A_45, %get3A_46] : memref<3x128x192xf32, #tpu.memory_space<vmem>>, vector<1x128x192xf32>
    %get3A_48 = vector.shape_cast %get3A_47 : vector<1x128x192xf32> to vector<128x192xf32>
    %mul3A_49 = vector.broadcast %squeeze3A_43 : f32 to vector<128x192xf32>
    %mul3A_50 = arith.mulf %mul3A_49, %get3A_48 : vector<128x192xf32>
    %slice3A_51 = vector.extract_strided_slice %get3A_1 {offsets = [1, 1], sizes = [1, 1], strides = [1, 1]} : vector<8x128xf32> to vector<1x1xf32>
    %squeeze3A_52 = vector.extract %slice3A_51[0, 0] : f32 from vector<1x1xf32>
    %get3A_53 = arith.constant 1 : index
    %get3A_54 = arith.constant 0 : index
    %get3A_55 = arith.constant 0 : index
    %get3A_56 = vector.load %arg5[%get3A_53, %get3A_54, %get3A_55] : memref<3x128x192xf32, #tpu.memory_space<vmem>>, vector<1x128x192xf32>
    %get3A_57 = vector.shape_cast %get3A_56 : vector<1x128x192xf32> to vector<128x192xf32>
    %mul3A_58 = vector.broadcast %squeeze3A_52 : f32 to vector<128x192xf32>
    %mul3A_59 = arith.mulf %mul3A_58, %get3A_57 : vector<128x192xf32>
    %add3A_60 = arith.addf %mul3A_50, %mul3A_59 : vector<128x192xf32>
    %slice3A_61 = vector.extract_strided_slice %get3A_1 {offsets = [1, 2], sizes = [1, 1], strides = [1, 1]} : vector<8x128xf32> to vector<1x1xf32>
    %squeeze3A_62 = vector.extract %slice3A_61[0, 0] : f32 from vector<1x1xf32>
    %get3A_63 = arith.constant 2 : index
    %get3A_64 = arith.constant 0 : index
    %get3A_65 = arith.constant 0 : index
    %get3A_66 = vector.load %arg5[%get3A_63, %get3A_64, %get3A_65] : memref<3x128x192xf32, #tpu.memory_space<vmem>>, vector<1x128x192xf32>
    %get3A_67 = vector.shape_cast %get3A_66 : vector<1x128x192xf32> to vector<128x192xf32>
    %mul3A_68 = vector.broadcast %squeeze3A_62 : f32 to vector<128x192xf32>
    %mul3A_69 = arith.mulf %mul3A_68, %get3A_67 : vector<128x192xf32>
    %add3A_70 = arith.addf %add3A_60, %mul3A_69 : vector<128x192xf32>
    %get3A_71 = arith.constant 1 : index
    %get3A_72 = arith.constant 0 : index
    %get3A_73 = arith.constant 0 : index
    %get3A_74 = vector.load %arg1[%get3A_71, %get3A_72, %get3A_73] : memref<3x2000x128xf32, #tpu.memory_space<vmem>>, vector<1x2000x128xf32>
    %get3A_75 = vector.shape_cast %get3A_74 : vector<1x2000x128xf32> to vector<2000x128xf32>
    %dot_general3A_76 = arith.constant dense<0.000000e+00> : vector<2000x192xf32>
    %dot_general3A_77 = tpu.matmul %get3A_75, %add3A_70, %dot_general3A_76 {dimension_numbers = #tpu.dot_dimension_numbers<[1], [0], [0], [1], [0, 0, 1, 1], [], []>, transpose_lhs_hint = false} : vector<2000x128xf32>, vector<128x192xf32>, vector<2000x192xf32> -> vector<2000x192xf32>
    %add3A_78 = arith.addf %add3A_41, %dot_general3A_77 : vector<2000x192xf32>
    %slice3A_79 = vector.extract_strided_slice %get3A_1 {offsets = [2, 0], sizes = [1, 1], strides = [1, 1]} : vector<8x128xf32> to vector<1x1xf32>
    %squeeze3A_80 = vector.extract %slice3A_79[0, 0] : f32 from vector<1x1xf32>
    %get3A_81 = arith.constant 0 : index
    %get3A_82 = arith.constant 0 : index
    %get3A_83 = arith.constant 0 : index
    %get3A_84 = vector.load %arg5[%get3A_81, %get3A_82, %get3A_83] : memref<3x128x192xf32, #tpu.memory_space<vmem>>, vector<1x128x192xf32>
    %get3A_85 = vector.shape_cast %get3A_84 : vector<1x128x192xf32> to vector<128x192xf32>
    %mul3A_86 = vector.broadcast %squeeze3A_80 : f32 to vector<128x192xf32>
    %mul3A_87 = arith.mulf %mul3A_86, %get3A_85 : vector<128x192xf32>
    %slice3A_88 = vector.extract_strided_slice %get3A_1 {offsets = [2, 1], sizes = [1, 1], strides = [1, 1]} : vector<8x128xf32> to vector<1x1xf32>
    %squeeze3A_89 = vector.extract %slice3A_88[0, 0] : f32 from vector<1x1xf32>
    %get3A_90 = arith.constant 1 : index
    %get3A_91 = arith.constant 0 : index
    %get3A_92 = arith.constant 0 : index
    %get3A_93 = vector.load %arg5[%get3A_90, %get3A_91, %get3A_92] : memref<3x128x192xf32, #tpu.memory_space<vmem>>, vector<1x128x192xf32>
    %get3A_94 = vector.shape_cast %get3A_93 : vector<1x128x192xf32> to vector<128x192xf32>
    %mul3A_95 = vector.broadcast %squeeze3A_89 : f32 to vector<128x192xf32>
    %mul3A_96 = arith.mulf %mul3A_95, %get3A_94 : vector<128x192xf32>
    %add3A_97 = arith.addf %mul3A_87, %mul3A_96 : vector<128x192xf32>
    %slice3A_98 = vector.extract_strided_slice %get3A_1 {offsets = [2, 2], sizes = [1, 1], strides = [1, 1]} : vector<8x128xf32> to vector<1x1xf32>
    %squeeze3A_99 = vector.extract %slice3A_98[0, 0] : f32 from vector<1x1xf32>
    %get3A_100 = arith.constant 2 : index
    %get3A_101 = arith.constant 0 : index
    %get3A_102 = arith.constant 0 : index
    %get3A_103 = vector.load %arg5[%get3A_100, %get3A_101, %get3A_102] : memref<3x128x192xf32, #tpu.memory_space<vmem>>, vector<1x128x192xf32>
    %get3A_104 = vector.shape_cast %get3A_103 : vector<1x128x192xf32> to vector<128x192xf32>
    %mul3A_105 = vector.broadcast %squeeze3A_99 : f32 to vector<128x192xf32>
    %mul3A_106 = arith.mulf %mul3A_105, %get3A_104 : vector<128x192xf32>
    %add3A_107 = arith.addf %add3A_97, %mul3A_106 : vector<128x192xf32>
    %get3A_108 = arith.constant 2 : index
    %get3A_109 = arith.constant 0 : index
    %get3A_110 = arith.constant 0 : index
    %get3A_111 = vector.load %arg1[%get3A_108, %get3A_109, %get3A_110] : memref<3x2000x128xf32, #tpu.memory_space<vmem>>, vector<1x2000x128xf32>
    %get3A_112 = vector.shape_cast %get3A_111 : vector<1x2000x128xf32> to vector<2000x128xf32>
    %dot_general3A_113 = arith.constant dense<0.000000e+00> : vector<2000x192xf32>
    %dot_general3A_114 = tpu.matmul %get3A_112, %add3A_107, %dot_general3A_113 {dimension_numbers = #tpu.dot_dimension_numbers<[1], [0], [0], [1], [0, 0, 1, 1], [], []>, transpose_lhs_hint = false} : vector<2000x128xf32>, vector<128x192xf32>, vector<2000x192xf32> -> vector<2000x192xf32>
    %add3A_115 = arith.addf %add3A_78, %dot_general3A_114 : vector<2000x192xf32>
    %mul3A_116 = vector.broadcast %div3A_8 : vector<2000x1xf32> to vector<2000x192xf32>
    %mul3A_117 = arith.mulf %add3A_115, %mul3A_116 : vector<2000x192xf32>
    %get3A_118 = arith.constant 0 : index
    %get3A_119 = arith.constant 0 : index
    %get3A_120 = vector.load %arg3[%get3A_118, %get3A_119] : memref<2000x128xf32, #tpu.memory_space<vmem>>, vector<2000x128xf32>
    %get3A_121 = arith.constant 0 : index
    %get3A_122 = arith.constant 0 : index
    %get3A_123 = vector.load %arg6[%get3A_121, %get3A_122] : memref<128x192xf32, #tpu.memory_space<vmem>>, vector<128x192xf32>
    %dot_general3A_124 = arith.constant dense<0.000000e+00> : vector<2000x192xf32>
    %dot_general3A_125 = tpu.matmul %get3A_120, %get3A_123, %dot_general3A_124 {dimension_numbers = #tpu.dot_dimension_numbers<[1], [0], [0], [1], [0, 0, 1, 1], [], []>, transpose_lhs_hint = false} : vector<2000x128xf32>, vector<128x192xf32>, vector<2000x192xf32> -> vector<2000x192xf32>
    %add3A_126 = arith.addf %mul3A_117, %dot_general3A_125 : vector<2000x192xf32>
    %slice3A_127 = vector.extract_strided_slice %add3A_126 {offsets = [0, 0], sizes = [2000, 64], strides = [1, 1]} : vector<2000x192xf32> to vector<2000x64xf32>
    %get3A_128 = arith.constant 0 : index
    %get3A_129 = arith.constant 0 : index
    %get3A_130 = vector.load %arg7[%get3A_128, %get3A_129] : memref<1x64xf32, #tpu.memory_space<vmem>>, vector<1x64xf32>
    %add3A_131 = vector.broadcast %get3A_130 : vector<1x64xf32> to vector<2000x64xf32>
    %add3A_132 = arith.addf %slice3A_127, %add3A_131 : vector<2000x64xf32>
    %logistic3A = arith.negf %add3A_132 : vector<2000x64xf32>
    %logistic3A_133 = math.exp %logistic3A : vector<2000x64xf32>
    %logistic3A_134 = arith.constant 1.000000e+00 : f32
    %logistic3A_135 = vector.broadcast %logistic3A_134 : f32 to vector<2000x64xf32>
    %logistic3A_136 = arith.addf %logistic3A_135, %logistic3A_133 : vector<2000x64xf32>
    %logistic3A_137 = arith.divf %logistic3A_135, %logistic3A_136 : vector<2000x64xf32>
    %slice3A_138 = vector.extract_strided_slice %add3A_126 {offsets = [0, 64], sizes = [2000, 64], strides = [1, 1]} : vector<2000x192xf32> to vector<2000x64xf32>
    %get3A_139 = arith.constant 0 : index
    %get3A_140 = arith.constant 0 : index
    %get3A_141 = vector.load %arg8[%get3A_139, %get3A_140] : memref<1x64xf32, #tpu.memory_space<vmem>>, vector<1x64xf32>
    %add3A_142 = vector.broadcast %get3A_141 : vector<1x64xf32> to vector<2000x64xf32>
    %add3A_143 = arith.addf %slice3A_138, %add3A_142 : vector<2000x64xf32>
    %tanh3A = math.tanh %add3A_143 : vector<2000x64xf32>
    %slice3A_144 = vector.extract_strided_slice %add3A_126 {offsets = [0, 128], sizes = [2000, 64], strides = [1, 1]} : vector<2000x192xf32> to vector<2000x64xf32>
    %get3A_145 = arith.constant 0 : index
    %get3A_146 = arith.constant 0 : index
    %get3A_147 = vector.load %arg9[%get3A_145, %get3A_146] : memref<1x64xf32, #tpu.memory_space<vmem>>, vector<1x64xf32>
    %add3A_148 = vector.broadcast %get3A_147 : vector<1x64xf32> to vector<2000x64xf32>
    %add3A_149 = arith.addf %slice3A_144, %add3A_148 : vector<2000x64xf32>
    %logistic3A_150 = arith.negf %add3A_149 : vector<2000x64xf32>
    %logistic3A_151 = math.exp %logistic3A_150 : vector<2000x64xf32>
    %logistic3A_152 = arith.constant 1.000000e+00 : f32
    %logistic3A_153 = vector.broadcast %logistic3A_152 : f32 to vector<2000x64xf32>
    %logistic3A_154 = arith.addf %logistic3A_153, %logistic3A_151 : vector<2000x64xf32>
    %logistic3A_155 = arith.divf %logistic3A_153, %logistic3A_154 : vector<2000x64xf32>
    %mul3A_156 = arith.mulf %logistic3A_137, %tanh3A : vector<2000x64xf32>
    %swap3A = arith.constant 0 : index
    %swap3A_157 = arith.constant 0 : index
    %swap3A_158 = vector.load %arg11[%swap3A, %swap3A_157] : memref<2000x64xf32, #tpu.memory_space<vmem>>, vector<2000x64xf32>
    tpu.vector_store %arg11[%swap3A, %swap3A_157], %mul3A_156 {strides = array<i32>} : memref<2000x64xf32, #tpu.memory_space<vmem>>, vector<2000x64xf32>,
    %tanh3A_159 = math.tanh %mul3A_156 : vector<2000x64xf32>
    %mul3A_160 = arith.mulf %logistic3A_155, %tanh3A_159 : vector<2000x64xf32>
    %swap3A_161 = arith.constant 0 : index
    %swap3A_162 = arith.constant 0 : index
    %swap3A_163 = vector.load %arg10[%swap3A_161, %swap3A_162] : memref<2000x64xf32, #tpu.memory_space<vmem>>, vector<2000x64xf32>
    tpu.vector_store %arg10[%swap3A_161, %swap3A_162], %mul3A_160 {strides = array<i32>} : memref<2000x64xf32, #tpu.memory_space<vmem>>, vector<2000x64xf32>,
    return
  }
  func.func @transform_0(%arg0: i32) -> (i32, i32, i32) {
    %c0_i32 = arith.constant 0 : i32
    %c0_i32_0 = arith.constant 0 : i32
    %c0_i32_1 = arith.constant 0 : i32
    return %c0_i32, %arg0, %c0_i32_0 : i32, i32, i32
  }
  func.func @transform_1(%arg0: i32) -> (i32, i32) {
    %c0_i32 = arith.constant 0 : i32
    %c0_i32_0 = arith.constant 0 : i32
    return %arg0, %c0_i32 : i32, i32
  }
  func.func @transform_2(%arg0: i32) -> (i32, i32) {
    %c0_i32 = arith.constant 0 : i32
    %c0_i32_0 = arith.constant 0 : i32
    return %arg0, %c0_i32 : i32, i32
  }
  func.func @transform_3(%arg0: i32) -> (i32, i32) {
    %c0_i32 = arith.constant 0 : i32
    %c0_i32_0 = arith.constant 0 : i32
    %c0_i32_1 = arith.constant 0 : i32
    return %c0_i32, %c0_i32_0 : i32, i32
  }
  func.func @transform_4(%arg0: i32) -> (i32, i32, i32) {
    %c0_i32 = arith.constant 0 : i32
    %c0_i32_0 = arith.constant 0 : i32
    %c0_i32_1 = arith.constant 0 : i32
    %c0_i32_2 = arith.constant 0 : i32
    return %c0_i32, %c0_i32_0, %c0_i32_1 : i32, i32, i32
  }
  func.func @transform_5(%arg0: i32) -> (i32, i32) {
    %c0_i32 = arith.constant 0 : i32
    %c0_i32_0 = arith.constant 0 : i32
    %c0_i32_1 = arith.constant 0 : i32
    return %c0_i32, %c0_i32_0 : i32, i32
  }
  func.func @transform_6(%arg0: i32) -> (i32, i32) {
    %c0_i32 = arith.constant 0 : i32
    %c0_i32_0 = arith.constant 0 : i32
    %c0_i32_1 = arith.constant 0 : i32
    return %c0_i32, %c0_i32_0 : i32, i32
  }
  func.func @transform_7(%arg0: i32) -> (i32, i32) {
    %c0_i32 = arith.constant 0 : i32
    %c0_i32_0 = arith.constant 0 : i32
    %c0_i32_1 = arith.constant 0 : i32
    return %c0_i32, %c0_i32_0 : i32, i32
  }
  func.func @transform_8(%arg0: i32) -> (i32, i32) {
    %c0_i32 = arith.constant 0 : i32
    %c0_i32_0 = arith.constant 0 : i32
    %c0_i32_1 = arith.constant 0 : i32
    return %c0_i32, %c0_i32_0 : i32, i32
  }
  func.func @transform_9(%arg0: i32) -> (i32, i32) {
    %c0_i32 = arith.constant 0 : i32
    %c0_i32_0 = arith.constant 0 : i32
    return %arg0, %c0_i32 : i32, i32
  }
  func.func @transform_10(%arg0: i32) -> (i32, i32) {
    %c0_i32 = arith.constant 0 : i32
    %c0_i32_0 = arith.constant 0 : i32
    return %arg0, %c0_i32 : i32, i32
  }
}

</mosaic_0001>

<sc_bundles>
// kernel: kernel.4.cloned.1.call-start
scs
__scs_entry_jumppad:
0x0: {  	(pc) =	sbr.rel $0x88, $3  }
0x1: {  	(tag) =	ssettag $0x0;
	lr =	simm.s32 $0x1  }
0x2: {  	[smem:$0x3F98] =	sst lr;
	_ =	strace $0xD0000000  }
0x3: {  	_ = 	snop  }
0x4: {  	_ = 	snop  }
0x5: {  	_ = 	snop  }
0x6: {  	_ = 	snop  }
0x7: {  	_ = 	snop  }
__scs_overlays_trampoline_lowered:
0x8: {  	[smem:$0x3FA7] =	sst s0  }
0x9: {  	[smem:$0x3FA8] =	sst s1  }
0xa: {  	[smem:$0x3FA9] =	sst s2  }
0xb: {  	[smem:$0x3FAA] =	sst s3  }
0xc: {  	[smem:$0x3FAB] =	sst s4  }
0xd: {  	[smem:$0x3FAC] =	sst s5  }
0xe: {  	[smem:$0x3FAD] =	sst s6  }
0xf: {  	[smem:$0x3FAE] =	sst s7  }
0x10: {  	[smem:$0x3FAF] =	sst s8  }
0x11: {  	[smem:$0x3FB0] =	sst s9;
	s0 =	simm.s32 @!p0 $0x0  }
0x12: {  	s1 =	sld [smem:$0x3F96];
	s0 =	simm.s32 @p0 $0x1  }
0x13: {  	[smem:$0x3FB1] =	sst s0;
	s0 =	simm.s32 @!p1 $0x0  }
0x14: {  	s2 =	sld [smem:$0x3F95];
	s0 =	simm.s32 @p1 $0x1  }
0x15: {  	[smem:$0x3FB2] =	sst s0;
	s0 =	simm.s32 @!p2 $0x0  }
0x16: {  	s3 =	sld [smem:$0x3FDB];
	s0 =	simm.s32 @p2 $0x1  }
0x17: {  	s4 =	simm.s32 $0x1BF5;
	[smem:$0x3FB4] =	sst s0  }
0x18: {  	s0 =	sld [smem:$0x3F97];
	_ =	swait.ge [sflag:s4], $0x0  }
0x19: {  	s7 =	sld [smem:$0x3F98]  }
0x1a: {  	s8 =	sadd.s32 $0xFFFFE003, lr  }
0x1b: {  	s9 =	sadd.s32 $0xFFFFFEF7, lr;
	s5 =	simm.s32 $0xFFFFFFFF;
	p2 =	slt.u32 s8, $0xFFFFF086  }
0x1c: {  	p1 =	slt.u32 s9, $0xF7A;
	s5 =	simm.s32 @!p2 $0x0  }
0x1d: {  	s5 =	simm.s32 @p1 $0x1;
	p0 =	seq.s32 s7, s2  }
0x1e: {  	s7 =	smul.u32 @!p0 $0xF7A, s2;
	p2 =	seq.s32 @!p0 s5, $0x0  }
0x1f: {  	s9 =	smul.u32 $0xF7A, s1;
	s8 =	simm.s32 @!p0 $0x1BF5;
	p2 =	por !p2, p0  }
0x20: {  	[sflag:s8] =	ssyncset.s32 @!p0 $0xFFFFF086;
	s6 =	sadd.s32 @!p0 s3, s7;
	s7 =	simm.s32 @!p0 $0x108  }
0x21: {  	s3 =	sadd.s32 s3, s9;
	s6 =	sadd.s32 @!p0 $0x88, s6;
	s7 =	simm.s32 @p2 $0x1082  }
0x22: {  	[simem:s7], [sflag:s8] =	dma.local @!p0 [hbm:s6], $0xF7A  }
0x23: {  	s9 =	sor.u32 $0xD0000000, s2;
	s6 =	simm.s32 $0x108;
	_ =	swait.ge @!p0 [sflag:s8], $0x0  }
0x24: {  	s3 =	sadd.s32 $0x88, s3;
	s6 =	simm.s32 @!p1 $0x1082;
	[sflag:s4] =	ssyncset.s32 $0xFFFFF086  }
0x25: {  	[simem:s6], [sflag:s4] =	dma.local [hbm:s3], $0xF7A  }
0x26: {  	[smem:$0x3F98] =	sst s1;
	(tag) =	ssettag s2;
	_ =	strace s9  }
0x27: {  	s1 =	sld [smem:$0x3FA8]  }
0x28: {  	s2 =	sld [smem:$0x3FA9]  }
0x29: {  	s4 =	sld [smem:$0x3FAB]  }
0x2a: {  	p0 =	seq.s32 s5, $0x0;
	s5 =	sld [smem:$0x3FAC]  }
0x2b: {  	s6 =	sld [smem:$0x3FAD]  }
0x2c: {  	s7 =	sld [smem:$0x3FAE]  }
0x2d: {  	s3 =	simm.s32 $0x108;
	s8 =	sld [smem:$0x3FAF]  }
0x2e: {  	s3 =	simm.s32 @!p0 $0x1082;
	s9 =	sld [smem:$0x3FB0]  }
0x2f: {  	lr =	sadd.s32 s0, s3;
	s0 =	sld [smem:$0x3FA7]  }
0x30: {  	s3 =	sld [smem:$0x3FAA]  }
0x31: {  	[smem:$0x3FB3] =	sst s10  }
0x32: {  	s10 =	sld [smem:$0x3FB1];
	_ =	sdelay $0x3  }
0x33: {  	p0 =	seq.s32 s10, $0x1;
	s10 =	sld [smem:$0x3FB3];
	_ =	sdelay $0x3  }
0x34: {  	[smem:$0x3FB3] =	sst s10  }
0x35: {  	s10 =	sld [smem:$0x3FB2];
	_ =	sdelay $0x3  }
0x36: {  	p1 =	seq.s32 s10, $0x1;
	s10 =	sld [smem:$0x3FB3];
	_ =	sdelay $0x3  }
0x37: {  	[smem:$0x3FB3] =	sst s10  }
0x38: {  	s10 =	sld [smem:$0x3FB4]  }
0x39: {  	_ = 	snop;
	(pc) =	sbr.ind lr, $3  }
0x3a: {  	_ = 	snop  }
0x3b: {  	_ = 	snop  }
0x3c: {  	p2 =	seq.s32 s10, $0x1;
	s10 =	sld [smem:$0x3FB3]  }
0x3d: {  	_ =	shalt  }
0x3e: {  	_ =	shalt  }
0x3f: {  	_ =	shalt  }
0x40: {  	_ =	shalt  }
0x41: {  	_ =	shalt  }
0x42: {  	_ =	shalt  }
0x43: {  	_ =	shalt  }
0x44: {  	_ =	shalt  }
0x45: {  	_ =	shalt  }
0x46: {  	_ =	shalt  }
0x47: {  	_ =	shalt  }
0x48: {  	_ =	shalt  }
0x49: {  	_ =	shalt  }
0x4a: {  	_ =	shalt  }
0x4b: {  	_ =	shalt  }
0x4c: {  	_ =	shalt  }
0x4d: {  	_ =	shalt  }
0x4e: {  	_ =	shalt  }
0x4f: {  	_ =	shalt  }
0x50: {  	_ =	shalt  }
0x51: {  	_ =	shalt  }
0x52: {  	_ =	shalt  }
0x53: {  	_ =	shalt  }
0x54: {  	_ =	shalt  }
0x55: {  	_ =	shalt  }
0x56: {  	_ =	shalt  }
0x57: {  	_ =	shalt  }
0x58: {  	_ =	shalt  }
0x59: {  	_ =	shalt  }
0x5a: {  	_ =	shalt  }
0x5b: {  	_ =	shalt  }
0x5c: {  	_ =	shalt  }
0x5d: {  	_ =	shalt  }
0x5e: {  	_ =	shalt  }
0x5f: {  	_ =	shalt  }
0x60: {  	_ =	shalt  }
0x61: {  	_ =	shalt  }
0x62: {  	_ =	shalt  }
0x63: {  	_ =	shalt  }
0x64: {  	_ =	shalt  }
0x65: {  	_ =	shalt  }
0x66: {  	_ =	shalt  }
0x67: {  	_ =	shalt  }
0x68: {  	_ =	shalt  }
0x69: {  	_ =	shalt  }
0x6a: {  	_ =	shalt  }
0x6b: {  	_ =	shalt  }
0x6c: {  	_ =	shalt  }
0x6d: {  	_ =	shalt  }
0x6e: {  	_ =	shalt  }
0x6f: {  	_ =	shalt  }
0x70: {  	_ =	shalt  }
0x71: {  	_ =	shalt  }
0x72: {  	_ =	shalt  }
0x73: {  	_ =	shalt  }
0x74: {  	_ =	shalt  }
0x75: {  	_ =	shalt  }
0x76: {  	_ =	shalt  }
0x77: {  	_ =	shalt  }
0x78: {  	_ =	shalt  }
0x79: {  	_ =	shalt  }
0x7a: {  	_ =	shalt  }
0x7b: {  	_ =	shalt  }
0x7c: {  	_ =	shalt  }
0x7d: {  	_ =	shalt  }
0x7e: {  	_ =	shalt  }
0x7f: {  	_ =	shalt  }
0x80: {  	_ =	shalt  }
0x81: {  	_ =	shalt  }
0x82: {  	_ =	shalt  }
0x83: {  	_ =	shalt  }
0x84: {  	_ =	shalt  }
0x85: {  	_ =	shalt  }
0x86: {  	_ =	shalt  }
0x87: {  	_ =	shalt  }
.Lfunc_end0:
.L_simem_size_0:
called_computation_lowered:
.L_overlay_start_0:
0x88: {  	s2 =	sld [smem:$0x3FD9]  }
0x89: {  	s3 =	sld [smem:$0x3FFE];
	_ =	sdelay $0x1  }
0x8a: {  	s1 =	srdreg.scid  }
0x8b: {  	s0 =	sand.u32 $0x1, s1  }
0x8c: {  	s14 =	sshll.u32 s0, $0xA;
	s2 =	sadd.s32 s3, s2  }
0x8d: {  	s2 =	sadd.s32 s2, s14  }
0x8e: {  	[smem:$0x3FBF] =	sst s2  }
0x8f: {  	_ = 	snop  }
0x90: {  	s2 =	sld [smem:$0x3FD0];
	_ =	sdelay $0x2  }
0x91: {  	s4 =	simm.s32 $0xA;
	s5 =	simm.s32 $0x10;
	s15 =	sld [smem:$0x3FC9]  }
0x92: {  	[smem:s5], [sflag:s4] =	dma.local [hbm:s2], $0x1  }
0x93: {  	_ =	swait.eq [sflag:s4], $0x1  }
0x94: {  	[sflag:s4] =	ssyncset.done $0x0  }
0x95: {  	[sflag:s4] =	ssyncadd.s32 $0xFFFFFFFF  }
0x96: {  	s16 =	sld [smem:$0x11];
	(tm) =	ssettm $0x1  }
0x97: {  	s17 =	sld [smem:$0x3FFB];
	_ =	sdelay $0x3  }
0x98: {  	_ =	strace s17  }
0x99: {  	s4 =	sld [smem:$0x3FFC];
	_ =	sdelay $0x3  }
0x9a: {  	_ =	strace s4  }
0x9b: {  	s4 =	sld [smem:$0x3FFD];
	_ =	sdelay $0x3  }
0x9c: {  	_ =	strace s4  }
0x9d: {  	_ =	strace $0x8FFFFFFF  }
0x9e: {  	s18 =	sld [smem:$0x3FDB];
	_ =	sdelay $0x1  }
0x9f: {  	s19 =	simm.s32 $_scs_section_size  }
0xa0: {  	s6 =	simm.s32 $_size__tile_overlayer_lowered;
	s7 =	simm.s32 $_tile_overlayer_lowered  }
0xa1: {  	s22 =	simm.s32 $0x1BFF;
	s21 =	sshll.u32 s7, $0x1;
	s4 =	sadd.s32 s19, s18  }
0xa2: {  	s8 =	simm.s32 $0x0;
	s20 =	sshll.u32 s6, $0x1;
	s6 =	sadd.s32 s21, s4  }
0xa3: {  	[timem:s8], [sflag:s22] =	dma.local [hbm:s6], s20  }
0xa4: {  	_ =	swait.ge [sflag:s22], s20  }
0xa5: {  	s5 =	ssub.s32 $0x0, s20;
	[sflag:s22] =	ssyncset.done $0x0  }
0xa6: {  	[sflag:s22] =	ssyncadd.s32 s5;
	_ =	sdelay $0x1  }
0xa7: {  	s23 =	simm.s32 $0x1B8B  }
0xa8: {  	_ =	swait.ge [sflag:s23], $0x1  }
0xa9: {  	[sflag:s23] =	ssyncset.done $0x0  }
0xaa: {  	s25 =	simm.s32 $0x1B8E;
	s24 =	sld [smem:$0x3FFE];
	[sflag:s23] =	ssyncadd.s32 $0xFFFFFFFF  }
0xab: {  	s26 =	simm.s32 $execute0_lowered;
	[smem:$0x3FD2] =	sst s25  }
0xac: {  	s6 =	sshll.u32 s26, $0x1;
	_ =	strace $0x80000046;
	[dreg:$0x1] =	wrdreg $0xFFFFFFFF  }
0xad: {  	s28 =	simm.s32 $_size_execute0_lowered;
	s4 =	sadd.s32 s4, s6;
	[dreg:$0x0] =	wrdreg $0x0  }
0xae: {  	s6 =	sshll.u32 s28, $0x1;
	[dreg:$0x2] =	wrdreg s4  }
0xaf: {  	[dreg:$0x3] =	wrdreg s6  }
0xb0: {  	[dreg:$0x4] =	wrdreg $0xC0  }
0xb1: {  	_ =	task [dreg:s8], $0x5FFFF  }
0xb2: {  	[dreg:$0x1] =	wrdreg $0xFFFFFFFF  }
0xb3: {  	[dreg:$0x0] =	wrdreg $0x60  }
0xb4: {  	[dreg:$0x2] =	wrdreg s15  }
0xb5: {  	[dreg:$0x3] =	wrdreg s24  }
0xb6: {  	[dreg:$0x4] =	wrdreg s16  }
0xb7: {  	[dreg:$0x5] =	wrdreg $0x0  }
0xb8: {  	[dreg:$0x6] =	wrdreg $0x1D5800  }
0xb9: {  	[dreg:$0x7] =	wrdreg $0x9  }
0xba: {  	_ =	task.clear_ibuf [dreg:s8], $0x8FFFF;
	_ =	strace $0x90000046  }
0xbb: {  	s29 =	simm.s32 $0x9;
	_ =	strace $0x80000048  }
0xbc: {  	_ =	swait.ge [sflag:s29], $0x1  }
0xbd: {  	[sflag:s29] =	ssyncadd.s32 $0xFFFFFFFF  }
0xbe: {  	_ =	strace $0x90000048  }
0xbf: {  	_ =	sfence  }
0xc0: {  	s30 =	sld [smem:$0x0];
	_ =	sdelay $0x2  }
0xc1: {  	s31 =	sshll.u32 s1, $0xD;
	s1 =	sshrl.u32 s1, $0x2  }
0xc2: {  	s3 =	sand.u32 $0x4000, s31;
	s1 =	sadd.s32 s1, s30  }
0xc3: {  	s0 =	sor.u32 s3, s0;
	s1 =	sshll.u32 s1, $0x11  }
0xc4: {  	s0 =	sor.u32 s1, s0  }
0xc5: {  	s0 =	sadd.s32 $0x8F2B, s0  }
0xc6: {  	[sflag:s0] =	ssyncadd.remote.s32 $0x1  }
0xc7: {  	_ =	sfence.sel $0xFFFF  }
0xc8: {  	[dreg:$0x0] =	wrdreg $0xFFFFFFFF;
	(pc) =	sbr.abs _section_cstart, $3  }
0xc9: {  	[dreg:$0x1] =	wrdreg $0xFFFFFFFF  }
0xca: {  	_ =	task.clear_ibuf [dreg:s8], $0x2FFFF;
	_ =	strace $0x9FFFFFFF  }
0xcb: {  	(tm) =	ssettm $0x7FFFFFFF  }
tec
execute0_lowered:
.L_overlay_start_1:
0x0: {  	(tag) =	ssettag $0x1  }
0x1: {  	s1 =	rddreg [dreg:$0x0]  }
0x2: {  	s0 =	rddreg [dreg:$0x1]  }
0x3: {  	s4 =	rddreg [dreg:$0x2];
	s14 =	stileid.u32  }
0x4: {  	s2 =	rddreg [dreg:$0x3];
	s9 =	smul.u32 $0x27000, s14  }
0x5: {  	s3 =	rddreg [dreg:$0x4];
	s11 =	smul.u32 $0x280, s14  }
0x6: {  	s5 =	simm.s32 $0x0;
	s6 =	srdreg.scid;
	s17 =	smul.u32 $0x4E48, s14  }
0x7: {  	[smem:$0x7FF] =	sst s5;
	s7 =	sand.u32 $0x1, s6;
	s19 =	smul.u32 $0x13800, s14  }
0x8: {  	s18 =	sadd.s32 $0x9C000, s2;
	s12 =	sadd.s32 $0x138400, s2;
	s26 =	smul.u32 $0x9C9, s14  }
0x9: {  	p0 =	seq.s32 s14, $0xF;
	p1 =	sne.s32 s14, $0xF;
	s14 =	sadd.s32 $0x1D4800, s2  }
0xa: {  	_ =	strace $0x80000047;
	s8 =	ssub.s32 $0x2, s7;
	[dreg:$0x7] =	wrdreg s18  }
0xb: {  	[dreg:$0x8] =	wrdreg s12;
	s20 =	sshll.u32 s7, $0x6;
	s23 =	smul.u32 $0x2800, s7  }
0xc: {  	[dreg:$0x17] =	wrdreg s14;
	s10 =	sshrl.u32 s8, $0x1;
	s9 =	sshrl.u32 s9, $0x2  }
0xd: {  	s16 =	sadd.s32 s11, s3;
	s13 =	sshrl.u32 s17, $0x3;
	s8 =	ssub.s32 s8, s10  }
0xe: {  	s10 =	sadd.s32 $0x28, s17;
	s17 =	sadd.s32 $0x50, s16;
	[dreg:$0x9] =	wrdreg s16  }
0xf: {  	s15 =	sadd.s32 s9, s2;
	s18 =	sadd.s32 $0xA0, s16;
	[dreg:$0x18] =	wrdreg s17  }
0x10: {  	s9 =	sor.u32 s20, s19;
	s19 =	sadd.s32 $0xF0, s16;
	[dreg:$0x19] =	wrdreg s18  }
0x11: {  	s5 =	sadd.s32 $0x1E00, s0;
	s20 =	sadd.s32 $0x140, s16;
	[dreg:$0x1a] =	wrdreg s19  }
0x12: {  	s25 =	sadd.s32 s11, s23;
	s23 =	sadd.s32 $0x1E0, s16;
	[dreg:$0x1b] =	wrdreg s20  }
0x13: {  	s13 =	sadd.s32 s5, s13;
	[dreg:$0x1d] =	wrdreg s23  }
0x14: {  	[dreg:$0xa] =	wrdreg s13  }
0x15: {  	s17 =	sadd.s32 $0x2C00, s15;
	[dreg:$0x6] =	wrdreg s15  }
0x16: {  	s18 =	sadd.s32 $0x3000, s15;
	[smem:$0x7E2] =	sst s17  }
0x17: {  	s19 =	sadd.s32 $0x3400, s15;
	[smem:$0x7E3] =	sst s18  }
0x18: {  	s0 =	sadd.s32 $0x1F400, s0;
	s20 =	sadd.s32 $0x3800, s15;
	[smem:$0x7E4] =	sst s19  }
0x19: {  	s10 =	sshrl.u32 s10, $0x3;
	s23 =	sadd.s32 $0x4000, s15;
	[smem:$0x7E5] =	sst s20  }
0x1a: {  	s12 =	sshrl.u32 s9, $0x3;
	s10 =	sadd.s32 s5, s10;
	[smem:$0x7E7] =	sst s23  }
0x1b: {  	s21 =	sadd.s32 s0, s12;
	[dreg:$0xb] =	wrdreg s10  }
0x1c: {  	s12 =	smax.u32 s8, $0x1;
	[dreg:$0xc] =	wrdreg s21  }
0x1d: {  	s8 =	sadd.s32 $0x1400, s15;
	[dreg:$0x13] =	wrdreg s12  }
0x1e: {  	s17 =	sadd.s32 $0x7400, s15;
	[smem:$0x7DC] =	sst s8  }
0x1f: {  	s18 =	sadd.s32 $0x7800, s15;
	[smem:$0x7F4] =	sst s17  }
0x20: {  	s22 =	sadd.s32 $0x138800, s9;
	s19 =	sadd.s32 $0x7C00, s15;
	[smem:$0x7F5] =	sst s18  }
0x21: {  	s9 =	sadd.s32 $0x271000, s9;
	s20 =	sadd.s32 $0x8000, s15;
	[smem:$0x7F6] =	sst s19  }
0x22: {  	s9 =	sshrl.u32 s9, $0x3;
	s23 =	sadd.s32 $0x8800, s15;
	[smem:$0x7F7] =	sst s20  }
0x23: {  	s11 =	sadd.s32 $0x92400, s2;
	s9 =	sadd.s32 s0, s9;
	[smem:$0x7F9] =	sst s23  }
0x24: {  	s21 =	sadd.s32 s26, s5;
	s5 =	sshrl.u32 @p0 s11, $0x3;
	[dreg:$0xe] =	wrdreg s9  }
0x25: {  	s10 =	sshrl.u32 s22, $0x3;
	s22 =	sadd.s32 $0x190, s16;
	[dreg:$0x14] =	wrdreg s5  }
0x26: {  	s26 =	sadd.s32 $0x400, s15;
	[dreg:$0x1c] =	wrdreg s22  }
0x27: {  	s11 =	sadd.s32 $0x2000, s15;
	[smem:$0x7D8] =	sst s26  }
0x28: {  	s12 =	sadd.s32 $0x2400, s15;
	[smem:$0x7DF] =	sst s11  }
0x29: {  	s8 =	sadd.s32 $0x5C00, s15;
	[smem:$0x7E0] =	sst s12  }
0x2a: {  	s24 =	sshll.u32 s7, $0x3;
	s10 =	sadd.s32 s0, s10;
	[smem:$0x7EE] =	sst s8  }
0x2b: {  	s0 =	sadd.s32 s24, s0;
	s24 =	sadd.s32 $0x230, s16;
	[dreg:$0xd] =	wrdreg s10  }
0x2c: {  	s9 =	sshrl.u32 s25, $0x3;
	s25 =	sadd.s32 $0xA, s13;
	[dreg:$0x1e] =	wrdreg s24  }
0x2d: {  	s5 =	sadd.s32 $0x1000, s15;
	[dreg:$0x1f] =	wrdreg s25  }
0x2e: {  	s16 =	sadd.s32 $0x2800, s15;
	[smem:$0x7DB] =	sst s5  }
0x2f: {  	s22 =	sadd.s32 $0x3C00, s15;
	[smem:$0x7E1] =	sst s16  }
0x30: {  	s26 =	sadd.s32 $0x4C00, s15;
	[smem:$0x7E6] =	sst s22  }
0x31: {  	s11 =	sadd.s32 $0x6800, s15;
	[smem:$0x7EA] =	sst s26  }
0x32: {  	s12 =	sadd.s32 $0x6C00, s15;
	[smem:$0x7F1] =	sst s11  }
0x33: {  	s10 =	sadd.s32 $0x24900, s0;
	[smem:$0x7F2] =	sst s12  }
0x34: {  	s31 =	sadd.s32 $0x4BA00, s0;
	[dreg:$0xf] =	wrdreg s10  }
0x35: {  	s4 =	sadd.s32 s4, s9;
	[dreg:$0x10] =	wrdreg s31  }
0x36: {  	s28 =	simm.s32 $0x1E4D0;
	s0 =	sadd.s32 $0x72B00, s0;
	[dreg:$0x11] =	wrdreg s4  }
0x37: {  	s29 =	simm.s32 $0x9;
	s9 =	sadd.s32 $0x1800, s15;
	[dreg:$0x12] =	wrdreg s0  }
0x38: {  	s30 =	simm.s32 $0x3;
	s24 =	sadd.s32 $0x4400, s15;
	[smem:$0x7DD] =	sst s9  }
0x39: {  	p2 =	seq.s32 s7, $0x0;
	s25 =	sadd.s32 $0x4800, s15;
	[smem:$0x7E8] =	sst s24  }
0x3a: {  	s14 =	sadd.s32 $0x138800, s15;
	s5 =	sadd.s32 $0x5800, s15;
	[smem:$0x7E9] =	sst s25  }
0x3b: {  	s17 =	simm.s32 $0x4E480;
	s16 =	sadd.s32 $0x7000, s15;
	[smem:$0x7ED] =	sst s5  }
0x3c: {  	s20 =	simm.s32 $0x1;
	s22 =	sadd.s32 $0x8400, s15;
	[smem:$0x7F3] =	sst s16  }
0x3d: {  	s23 =	simm.s32 $0x1DAD0;
	s26 =	sadd.s32 $0x9400, s15;
	[smem:$0x7F8] =	sst s22  }
0x3e: {  	s19 =	simm.s32 $0x5;
	s31 =	sadd.s32 $0x800, s15;
	[smem:$0x7FC] =	sst s26  }
0x3f: {  	s13 =	sadd.s32 $0x9C400, s15;
	s10 =	sadd.s32 $0x1C00, s15;
	[smem:$0x7D9] =	sst s31  }
0x40: {  	s8 =	simm.s32 $0x6;
	s9 =	sadd.s32 $0x6000, s15;
	[smem:$0x7DE] =	sst s10  }
0x41: {  	s4 =	sadd.s32 $0x12E800, s2;
	s24 =	sadd.s32 $0x8C00, s15;
	[smem:$0x7EF] =	sst s9  }
0x42: {  	s0 =	sadd.s32 $0x1CAC00, s2;
	s25 =	sadd.s32 $0x9000, s15;
	[smem:$0x7FA] =	sst s24  }
0x43: {  	s16 =	simm.s32 $0x28;
	s4 =	sshrl.u32 @p0 s4, $0x3;
	[smem:$0x7FB] =	sst s25  }
0x44: {  	s0 =	sshrl.u32 @p0 s0, $0x3;
	s31 =	sadd.s32 $0x5000, s15;
	[dreg:$0x15] =	wrdreg s4  }
0x45: {  	s10 =	sadd.s32 $0x6400, s15;
	s24 =	simm.s32 $0x8;
	[dreg:$0x16] =	wrdreg s0  }
.Ltmp0:
0x46: {  	s25 =	simm.s32 $0x2;
	[smem:$0x7EB] =	sst s31;
	(pc) =	sbr.rel .LBB2_1-.Ltmp0, $4  }
0x47: {  	s9 =	simm.s32 $0x0;
	s4 =	sadd.s32 $0xC00, s15;
	[smem:$0x7F0] =	sst s10  }
0x48: {  	s31 =	sadd.s32 $0x9800, s15;
	s10 =	simm.s32 $0x1F948;
	[smem:$0x7DA] =	sst s4  }
0x49: {  	s0 =	simm.s32 $0x1EED0;
	s4 =	sadd.s32 $0x5400, s15;
	[smem:$0x7FD] =	sst s31  }
0x4a: {  	v1 =	vimm.f32 $0.0e+00;
	v2 =	vimm.f32 $1.000000000e+00;
	v0 =	vmov s7;
	s15 =	simm.s32 $0xD;
	[smem:$0x7EC] =	sst s4;
	s4 =	simm.s32 $0x4  }
.LBB2_23:
0x4b: {  	s5 =	simm.s32 $0x7  }
0x4c: {  	_ =	swait.ge [sflag:s5], $0xA00  }
0x4d: {  	[sflag:s5] =	ssyncset.done $0x0  }
0x4e: {  	s9 =	simm.s32 @p2 $0xA;
	[sflag:s5] =	ssyncadd.s32 $0xFFFFF600  }
0x4f: {  	_ =	swait.ge @p2 [sflag:s9], $0x28  }
0x50: {  	[sflag:s9] =	ssyncset.done @p2 $0x0  }
0x51: {  	[sflag:s9] =	ssyncadd.s32 @p2 $0xFFFFFFD8;
	s9 =	simm.s32 @p2 $0x8  }
0x52: {  	_ =	swait.ge @p2 [sflag:s9], $0xA00  }
0x53: {  	[sflag:s9] =	ssyncset.done @p2 $0x0  }
0x54: {  	[sflag:s9] =	ssyncadd.s32 @p2 $0xFFFFF600;
	s9 =	simm.s32 @p2 $0x9  }
0x55: {  	_ =	swait.ge @p2 [sflag:s9], $0xA00  }
0x56: {  	[sflag:s9] =	ssyncset.done @p2 $0x0  }
0x57: {  	[sflag:s9] =	ssyncadd.s32 @p2 $0xFFFFF600;
	s9 =	simm.s32 @p2 $0xC  }
0x58: {  	_ =	swait.ge @p2 [sflag:s9], $0x28  }
0x59: {  	[sflag:s9] =	ssyncset.done @p2 $0x0  }
0x5a: {  	[sflag:s9] =	ssyncadd.s32 @p2 $0xFFFFFFD8;
	s9 =	simm.s32 @!p2 $0x8  }
0x5b: {  	_ =	swait.ge @!p2 [sflag:s9], $0xA00  }
0x5c: {  	[sflag:s9] =	ssyncset.done @!p2 $0x0  }
0x5d: {  	[sflag:s9] =	ssyncadd.s32 @!p2 $0xFFFFF600;
	s9 =	simm.s32 @!p2 $0xB  }
0x5e: {  	_ =	swait.ge @!p2 [sflag:s9], $0x28  }
0x5f: {  	[sflag:s9] =	ssyncset.done @!p2 $0x0  }
0x60: {  	[sflag:s9] =	ssyncadd.s32 @!p2 $0xFFFFFFD8;
	s9 =	simm.s32 @!p2 $0x9  }
0x61: {  	_ =	swait.ge @!p2 [sflag:s9], $0xA00  }
0x62: {  	[sflag:s9] =	ssyncset.done @!p2 $0x0  }
0x63: {  	[sflag:s9] =	ssyncadd.s32 @!p2 $0xFFFFF600  }
0x64: {  	[bflag:$0x0] =	sbarrier.arrive $0xFFFF  }
0x65: {  	s11 =	simm.s32 @p0 $0x10;
	s12 =	simm.s32 @p0 $0x8;
	s22 =	rddreg [dreg:$0xf]  }
0x66: {  	s18 =	simm.s32 @p0 $0x1FCD;
	s9 =	simm.s32 @p0 $0x1;
	s5 =	rddreg [dreg:$0x14]  }
0x67: {  	[hbm:s22@s11], [sflag:s18] =	dma.strided @p0 [spmem:s5@s12], $0x1400, s9, $0x8   }
0x68: {  	s22 =	rddreg [dreg:$0x10]  }
0x69: {  	s5 =	rddreg [dreg:$0x15]  }
0x6a: {  	[hbm:s22@s11], [sflag:s18] =	dma.strided @p0 [spmem:s5@s12], $0x1400, s9, $0x8   }
0x6b: {  	s5 =	rddreg [dreg:$0x12]  }
0x6c: {  	s22 =	rddreg [dreg:$0x16]  }
0x6d: {  	[hbm:s5@s11], [sflag:s18] =	dma.strided @p0 [spmem:s22@s12], $0x1400, s9, $0x8   }
0x6e: {  	s12 =	stileid.u32  }
0x6f: {  	s9 =	sshll.u32 @p0 s12, $0x6;
	s31 =	rddreg [dreg:$0x9]  }
0x70: {  	s5 =	rddreg [dreg:$0x11];
	s9 =	sor.u32 @p0 $0x1C0D, s9;
	s11 =	sshrl.u32 @p0 s31, $0x3  }
0x71: {  	[hbm:s5], [sflag:s9] =	dma.local @p0 [spmem:s11], $0x50  }
0x72: {  	s9 =	simm.s32 @p0 $0xD  }
0x73: {  	_ =	swait.ge @p0 [sflag:s9], $0x1400  }
0x74: {  	[sflag:s9] =	ssyncset.done @p0 $0x0  }
0x75: {  	[sflag:s9] =	ssyncadd.s32 @p0 $0xFFFFEC00  }
0x76: {  	_ =	swait.ge @p0 [sflag:s9], $0x1400  }
0x77: {  	[sflag:s9] =	ssyncset.done @p0 $0x0  }
0x78: {  	[sflag:s9] =	ssyncadd.s32 @p0 $0xFFFFEC00  }
0x79: {  	s18 =	simm.s32 @!p0 $0x10;
	_ =	swait.ge @p0 [sflag:s9], $0x1400  }
0x7a: {  	s22 =	simm.s32 @!p0 $0x8;
	s11 =	sshll.u32 @!p0 s12, $0x6;
	[sflag:s9] =	ssyncset.done @p0 $0x0  }
0x7b: {  	[sflag:s9] =	ssyncadd.s32 @p0 $0xFFFFEC00;
	s9 =	sor.u32 @!p0 $0x1C0D, s11;
	s11 =	rddreg [dreg:$0x6]  }
0x7c: {  	s12 =	simm.s32 @!p0 $0x1;
	s26 =	rddreg [dreg:$0xc];
	s11 =	sshrl.u32 @!p0 s11, $0x3  }
0x7d: {  	[hbm:s26@s18], [sflag:s9] =	dma.strided @!p0 [spmem:s11@s22], $0x1380, s12, $0x8   }
0x7e: {  	s11 =	sshrl.u32 @!p0 s13, $0x3;
	s26 =	rddreg [dreg:$0xd]  }
0x7f: {  	[hbm:s26@s18], [sflag:s9] =	dma.strided @!p0 [spmem:s11@s22], $0x1380, s12, $0x8   }
0x80: {  	s11 =	sshrl.u32 @!p0 s14, $0x3;
	s26 =	rddreg [dreg:$0xe]  }
0x81: {  	[hbm:s26@s18], [sflag:s9] =	dma.strided @!p0 [spmem:s11@s22], $0x1380, s12, $0x8   }
0x82: {  	s11 =	sshrl.u32 @!p0 s31, $0x3  }
0x83: {  	[hbm:s5], [sflag:s9] =	dma.local @!p0 [spmem:s11], $0x50  }
0x84: {  	s9 =	simm.s32 @!p0 $0xD  }
0x85: {  	_ =	swait.ge @!p0 [sflag:s9], $0x1380  }
0x86: {  	[sflag:s9] =	ssyncset.done @!p0 $0x0  }
0x87: {  	[sflag:s9] =	ssyncadd.s32 @!p0 $0xFFFFEC80  }
0x88: {  	_ =	swait.ge @!p0 [sflag:s9], $0x1380  }
0x89: {  	[sflag:s9] =	ssyncset.done @!p0 $0x0  }
0x8a: {  	[sflag:s9] =	ssyncadd.s32 @!p0 $0xFFFFEC80  }
0x8b: {  	_ =	swait.ge @!p0 [sflag:s9], $0x1380  }
0x8c: {  	[sflag:s9] =	ssyncset.done @!p0 $0x0  }
0x8d: {  	[sflag:s9] =	ssyncadd.s32 @!p0 $0xFFFFEC80  }
0x8e: {  	_ =	swait.ge [sflag:s15], $0x50  }
0x8f: {  	s26 =	sld [smem:$0x7D7];
	_ =	sdelay $0x2  }
0x90: {  	s31 =	rddreg [dreg:$0x13];
	s9 =	sadd.s32 $0x1, s26  }
0x91: {  	p3 =	sne.s32 s9, s31  }
.Ltmp1:
0x92: {  	_ = 	snop;
	(pc) =	sbr.rel @!p3 .LBB2_24-.Ltmp1, $3  }
0x93: {  	_ =	sdelay $0x1  }
0x94: {  	[sflag:s15] =	ssyncset.done $0x0  }
0x95: {  	[sflag:s15] =	ssyncadd.s32 $0xFFFFFFB0  }
.LBB2_1:
0x96: {  	[tilespmem:$0x1F8F8] =	vst v1  }
0x97: {  	[tilespmem:$0x1F908] =	vst v1;
	s31 =	simm.s32 $0x0  }
0x98: {  	[tilespmem:$0x1F918] =	vst v1;
	s12 =	sand.u32 $0xF00, s31  }
0x99: {  	[smem:$0x7D7] =	sst s9;
	[tilespmem:$0x1F928] =	vst v1;
	s18 =	sand.u32 $0x30, s31;
	s22 =	sshrl.u32 s12, $0x2  }
0x9a: {  	[tilespmem:$0x1F938] =	vst v1;
	s12 =	simm.s32 $0x40;
	s22 =	sor.u32 s18, s22;
	s18 =	simm.s32 $0x0  }
.LBB2_2:
0x9b: {  	p3 =	sne.s32 s12, $0xFC0  }
0x9c: {  	[tilespmem:s22+$0x1F948] =	vst v1;
	s18 =	sadd.s32 $0x10, s18;
	s22 =	smov.u32 s12;
	s12 =	sadd.s32 $0x40, s12  }
.Ltmp2:
0x9d: {  	(pc) =	sbr.rel @p3 .LBB2_2-.Ltmp2, $4  }
0x9e: {  	_ = 	snop  }
0x9f: {  	s22 =	sand.u32 $0xF00, s22  }
0xa0: {  	s26 =	sand.u32 $0x30, s18;
	s22 =	sshrl.u32 s22, $0x2  }
0xa1: {  	s22 =	sor.u32 s26, s22  }
0xa2: {  	[tilespmem:s22+$0x1F948] =	vst v1  }
0xa3: {  	[tilespmem:$0x1F8D0] =	vst v2  }
0xa4: {  	s9 =	rddreg [dreg:$0x6];
	[tilespmem:$0x1F8E0] =	vst v2  }
0xa5: {  	s5 =	sld [smem:$0x7D8];
	[tilespmem:$0x1F8E8] =	vst v2  }
0xa6: {  	[spmem:s9] =	stream.linear.scatter [tilespmem:s10], [sflag:$0xD], $0x400, $0x38;
	[tilespmem:$0x1FD48] =	vst v63  }
0xa7: {  	s26 =	sld [smem:$0x7D9]  }
0xa8: {  	[spmem:s5] =	stream.linear.scatter [tilespmem:s10], [sflag:$0xD], $0x400, $0x38;
	[tilespmem:$0x1FD48] =	vst v63  }
0xa9: {  	s31 =	sld [smem:$0x7DA]  }
0xaa: {  	[spmem:s26] =	stream.linear.scatter [tilespmem:s10], [sflag:$0xD], $0x400, $0x38;
	[tilespmem:$0x1FD48] =	vst v63  }
0xab: {  	s9 =	sld [smem:$0x7DB]  }
0xac: {  	[spmem:s31] =	stream.linear.scatter [tilespmem:s10], [sflag:$0xD], $0x400, $0x38;
	[tilespmem:$0x1FD48] =	vst v63  }
0xad: {  	s11 =	sld [smem:$0x7DC]  }
0xae: {  	[spmem:s9] =	stream.linear.scatter [tilespmem:s10], [sflag:$0xD], $0x400, $0x38;
	[tilespmem:$0x1FD48] =	vst v63  }
0xaf: {  	s12 =	sld [smem:$0x7DD]  }
0xb0: {  	[spmem:s11] =	stream.linear.scatter [tilespmem:s10], [sflag:$0xD], $0x400, $0x38;
	[tilespmem:$0x1FD48] =	vst v63  }
0xb1: {  	s18 =	sld [smem:$0x7DE]  }
0xb2: {  	[spmem:s12] =	stream.linear.scatter [tilespmem:s10], [sflag:$0xD], $0x400, $0x38;
	[tilespmem:$0x1FD48] =	vst v63  }
0xb3: {  	s22 =	sld [smem:$0x7DF]  }
0xb4: {  	[spmem:s18] =	stream.linear.scatter [tilespmem:s10], [sflag:$0xD], $0x400, $0x38;
	[tilespmem:$0x1FD48] =	vst v63  }
0xb5: {  	s26 =	sld [smem:$0x7E0]  }
0xb6: {  	[spmem:s22] =	stream.linear.scatter [tilespmem:s10], [sflag:$0xD], $0x400, $0x38;
	[tilespmem:$0x1FD48] =	vst v63  }
0xb7: {  	s31 =	sld [smem:$0x7E1]  }
0xb8: {  	[spmem:s26] =	stream.linear.scatter [tilespmem:s10], [sflag:$0xD], $0x400, $0x38;
	[tilespmem:$0x1FD48] =	vst v63  }
0xb9: {  	s9 =	sld [smem:$0x7E2]  }
0xba: {  	[spmem:s31] =	stream.linear.scatter [tilespmem:s10], [sflag:$0xD], $0x400, $0x38;
	[tilespmem:$0x1FD48] =	vst v63  }
0xbb: {  	s11 =	sld [smem:$0x7E3]  }
0xbc: {  	[spmem:s9] =	stream.linear.scatter [tilespmem:s10], [sflag:$0xD], $0x400, $0x38;
	[tilespmem:$0x1FD48] =	vst v63  }
0xbd: {  	s12 =	sld [smem:$0x7E4]  }
0xbe: {  	[spmem:s11] =	stream.linear.scatter [tilespmem:s10], [sflag:$0xD], $0x400, $0x38;
	[tilespmem:$0x1FD48] =	vst v63  }
0xbf: {  	s18 =	sld [smem:$0x7E5]  }
0xc0: {  	[spmem:s12] =	stream.linear.scatter [tilespmem:s10], [sflag:$0xD], $0x400, $0x38;
	[tilespmem:$0x1FD48] =	vst v63  }
0xc1: {  	s22 =	sld [smem:$0x7E6]  }
0xc2: {  	[spmem:s18] =	stream.linear.scatter [tilespmem:s10], [sflag:$0xD], $0x400, $0x38;
	[tilespmem:$0x1FD48] =	vst v63  }
0xc3: {  	s26 =	sld [smem:$0x7E7]  }
0xc4: {  	[spmem:s22] =	stream.linear.scatter [tilespmem:s10], [sflag:$0xD], $0x400, $0x38;
	[tilespmem:$0x1FD48] =	vst v63  }
0xc5: {  	s31 =	sld [smem:$0x7E8]  }
0xc6: {  	[spmem:s26] =	stream.linear.scatter [tilespmem:s10], [sflag:$0xD], $0x400, $0x38;
	[tilespmem:$0x1FD48] =	vst v63  }
0xc7: {  	s9 =	sld [smem:$0x7E9]  }
0xc8: {  	[spmem:s31] =	stream.linear.scatter [tilespmem:s10], [sflag:$0xD], $0x400, $0x38;
	[tilespmem:$0x1FD48] =	vst v63  }
0xc9: {  	s11 =	sld [smem:$0x7EA]  }
0xca: {  	[spmem:s9] =	stream.linear.scatter [tilespmem:s10], [sflag:$0xD], $0x400, $0x38;
	[tilespmem:$0x1FD48] =	vst v63  }
0xcb: {  	s12 =	sld [smem:$0x7EB]  }
0xcc: {  	[spmem:s11] =	stream.linear.scatter [tilespmem:s10], [sflag:$0xD], $0x400, $0x38;
	[tilespmem:$0x1FD48] =	vst v63  }
0xcd: {  	s18 =	sld [smem:$0x7EC]  }
0xce: {  	[spmem:s12] =	stream.linear.scatter [tilespmem:s10], [sflag:$0xD], $0x400, $0x38;
	[tilespmem:$0x1FD48] =	vst v63  }
0xcf: {  	s22 =	sld [smem:$0x7ED]  }
0xd0: {  	[spmem:s18] =	stream.linear.scatter [tilespmem:s10], [sflag:$0xD], $0x400, $0x38;
	[tilespmem:$0x1FD48] =	vst v63  }
0xd1: {  	s26 =	sld [smem:$0x7EE]  }
0xd2: {  	[spmem:s22] =	stream.linear.scatter [tilespmem:s10], [sflag:$0xD], $0x400, $0x38;
	[tilespmem:$0x1FD48] =	vst v63  }
0xd3: {  	s31 =	sld [smem:$0x7EF]  }
0xd4: {  	[spmem:s26] =	stream.linear.scatter [tilespmem:s10], [sflag:$0xD], $0x400, $0x38;
	[tilespmem:$0x1FD48] =	vst v63  }
0xd5: {  	s9 =	sld [smem:$0x7F0]  }
0xd6: {  	[spmem:s31] =	stream.linear.scatter [tilespmem:s10], [sflag:$0xD], $0x400, $0x38;
	[tilespmem:$0x1FD48] =	vst v63  }
0xd7: {  	s11 =	sld [smem:$0x7F1]  }
0xd8: {  	[spmem:s9] =	stream.linear.scatter [tilespmem:s10], [sflag:$0xD], $0x400, $0x38;
	[tilespmem:$0x1FD48] =	vst v63  }
0xd9: {  	s12 =	sld [smem:$0x7F2]  }
0xda: {  	[spmem:s11] =	stream.linear.scatter [tilespmem:s10], [sflag:$0xD], $0x400, $0x38;
	[tilespmem:$0x1FD48] =	vst v63  }
0xdb: {  	s18 =	sld [smem:$0x7F3]  }
0xdc: {  	[spmem:s12] =	stream.linear.scatter [tilespmem:s10], [sflag:$0xD], $0x400, $0x38;
	[tilespmem:$0x1FD48] =	vst v63  }
0xdd: {  	s22 =	sld [smem:$0x7F4]  }
0xde: {  	[spmem:s18] =	stream.linear.scatter [tilespmem:s10], [sflag:$0xD], $0x400, $0x38;
	[tilespmem:$0x1FD48] =	vst v63  }
0xdf: {  	s26 =	sld [smem:$0x7F5]  }
0xe0: {  	[spmem:s22] =	stream.linear.scatter [tilespmem:s10], [sflag:$0xD], $0x400, $0x38;
	[tilespmem:$0x1FD48] =	vst v63  }
0xe1: {  	s31 =	sld [smem:$0x7F6]  }
0xe2: {  	[spmem:s26] =	stream.linear.scatter [tilespmem:s10], [sflag:$0xD], $0x400, $0x38;
	[tilespmem:$0x1FD48] =	vst v63  }
0xe3: {  	s9 =	sld [smem:$0x7F7]  }
0xe4: {  	[spmem:s31] =	stream.linear.scatter [tilespmem:s10], [sflag:$0xD], $0x400, $0x38;
	[tilespmem:$0x1FD48] =	vst v63  }
0xe5: {  	s11 =	sld [smem:$0x7F8]  }
0xe6: {  	[spmem:s9] =	stream.linear.scatter [tilespmem:s10], [sflag:$0xD], $0x400, $0x38;
	[tilespmem:$0x1FD48] =	vst v63  }
0xe7: {  	s12 =	sld [smem:$0x7F9]  }
0xe8: {  	[spmem:s11] =	stream.linear.scatter [tilespmem:s10], [sflag:$0xD], $0x400, $0x38;
	[tilespmem:$0x1FD48] =	vst v63  }
0xe9: {  	s18 =	sld [smem:$0x7FA]  }
0xea: {  	[spmem:s12] =	stream.linear.scatter [tilespmem:s10], [sflag:$0xD], $0x400, $0x38;
	[tilespmem:$0x1FD48] =	vst v63  }
0xeb: {  	s22 =	sld [smem:$0x7FB]  }
0xec: {  	[spmem:s18] =	stream.linear.scatter [tilespmem:s10], [sflag:$0xD], $0x400, $0x38;
	[tilespmem:$0x1FD48] =	vst v63  }
0xed: {  	s26 =	sld [smem:$0x7FC]  }
0xee: {  	[spmem:s22] =	stream.linear.scatter [tilespmem:s10], [sflag:$0xD], $0x400, $0x38;
	[tilespmem:$0x1FD48] =	vst v63  }
0xef: {  	s31 =	sld [smem:$0x7FD]  }
0xf0: {  	[spmem:s26] =	stream.linear.scatter [tilespmem:s10], [sflag:$0xD], $0x400, $0x38;
	[tilespmem:$0x1FD48] =	vst v63  }
0xf1: {  	_ = 	snop  }
0xf2: {  	[spmem:s31] =	stream.linear.scatter [tilespmem:s10], [sflag:$0xD], $0x400, $0x38;
	[tilespmem:$0x1FD48] =	vst v63  }
0xf3: {  	s9 =	rddreg [dreg:$0x7];
	s12 =	simm.s32 @!p1 $0x1F948  }
0xf4: {  	[spmem:s9] =	stream.linear.scatter @!p1 [tilespmem:s12], [sflag:$0xD], $0x400, $0x38;
	[tilespmem:$0x1FD48] =	vst v63  }
0xf5: {  	s18 =	sadd.s32 $0x0, s13;
	s12 =	simm.s32 $0x1000  }
.LBB2_4:
0xf6: {  	[spmem:s18] =	stream.linear.scatter [tilespmem:s10], [sflag:$0xD], $0x400, $0x38;
	[tilespmem:$0x1FD48] =	vst v63  }
0xf7: {  	s18 =	smov.u32 s12;
	p3 =	sne.s32 s12, $0x26000  }
.Ltmp3:
0xf8: {  	s12 =	sadd.s32 $0x1000, s12;
	(pc) =	sbr.rel @p3 .LBB2_4-.Ltmp3, $3  }
0xf9: {  	_ =	sdelay $0x1  }
0xfa: {  	s18 =	sshra.s32 s18, $0x2  }
0xfb: {  	s18 =	sadd.s32 s18, s13  }
0xfc: {  	[spmem:s18] =	stream.linear.scatter [tilespmem:s10], [sflag:$0xD], $0x400, $0x38;
	[tilespmem:$0x1FD48] =	vst v63  }
0xfd: {  	s12 =	simm.s32 @!p1 $0x1F948;
	s9 =	rddreg [dreg:$0x8]  }
0xfe: {  	[spmem:s9] =	stream.linear.scatter @!p1 [tilespmem:s12], [sflag:$0xD], $0x400, $0x38;
	[tilespmem:$0x1FD48] =	vst v63  }
0xff: {  	s18 =	sadd.s32 $0x0, s14;
	s12 =	simm.s32 $0x1000  }
.LBB2_6:
0x100: {  	[spmem:s18] =	stream.linear.scatter [tilespmem:s10], [sflag:$0xD], $0x400, $0x38;
	[tilespmem:$0x1FD48] =	vst v63  }
0x101: {  	s18 =	smov.u32 s12;
	p3 =	sne.s32 s12, $0x26000  }
.Ltmp4:
0x102: {  	s12 =	sadd.s32 $0x1000, s12;
	(pc) =	sbr.rel @p3 .LBB2_6-.Ltmp4, $3  }
0x103: {  	_ =	sdelay $0x1  }
0x104: {  	s18 =	sshra.s32 s18, $0x2  }
0x105: {  	s18 =	sadd.s32 s18, s14  }
0x106: {  	[spmem:s18] =	stream.linear.scatter [tilespmem:s10], [sflag:$0xD], $0x400, $0x38;
	[tilespmem:$0x1FD48] =	vst v63  }
0x107: {  	s12 =	simm.s32 @!p1 $0x1F948;
	s5 =	rddreg [dreg:$0x17]  }
0x108: {  	[spmem:s5] =	stream.linear.scatter @!p1 [tilespmem:s12], [sflag:$0xD], $0x400, $0x38;
	[tilespmem:$0x1FD48] =	vst v63  }
0x109: {  	s9 =	rddreg [dreg:$0x9];
	s11 =	simm.s32 $0x1F8F8  }
0x10a: {  	[spmem:s9] =	stream.linear.scatter [tilespmem:s11], [sflag:$0xD], $0x50, $0x38;
	[tilespmem:$0x1FD48] =	vst v63  }
0x10b: {  	s31 =	rddreg [dreg:$0x18]  }
0x10c: {  	[spmem:s31] =	stream.linear.scatter [tilespmem:s11], [sflag:$0xD], $0x50, $0x38;
	[tilespmem:$0x1FD48] =	vst v63  }
0x10d: {  	s9 =	rddreg [dreg:$0x19]  }
0x10e: {  	[spmem:s9] =	stream.linear.scatter [tilespmem:s11], [sflag:$0xD], $0x50, $0x38;
	[tilespmem:$0x1FD48] =	vst v63  }
0x10f: {  	s12 =	rddreg [dreg:$0x1a]  }
0x110: {  	[spmem:s12] =	stream.linear.scatter [tilespmem:s11], [sflag:$0xD], $0x50, $0x38;
	[tilespmem:$0x1FD48] =	vst v63  }
0x111: {  	s18 =	rddreg [dreg:$0x1b]  }
0x112: {  	[spmem:s18] =	stream.linear.scatter [tilespmem:s11], [sflag:$0xD], $0x50, $0x38;
	[tilespmem:$0x1FD48] =	vst v63  }
0x113: {  	s22 =	rddreg [dreg:$0x1c]  }
0x114: {  	[spmem:s22] =	stream.linear.scatter [tilespmem:s11], [sflag:$0xD], $0x50, $0x38;
	[tilespmem:$0x1FD48] =	vst v63  }
0x115: {  	s26 =	rddreg [dreg:$0x1d]  }
0x116: {  	[spmem:s26] =	stream.linear.scatter [tilespmem:s11], [sflag:$0xD], $0x50, $0x38;
	[tilespmem:$0x1FD48] =	vst v63  }
0x117: {  	s31 =	rddreg [dreg:$0x1e]  }
0x118: {  	[spmem:s31] =	stream.linear.scatter [tilespmem:s11], [sflag:$0xD], $0x50, $0x38;
	[tilespmem:$0x1FD48] =	vst v63  }
0x119: {  	_ =	swait.ge [sflag:s15], $0x400  }
0x11a: {  	s12 =	simm.s32 $0x26;
	[sflag:s15] =	ssyncset.done $0x0  }
.LBB2_8:
0x11b: {  	p3 =	sne.s32 s12, $0x1;
	s12 =	sadd.s32 $0xFFFFFFFF, s12;
	[sflag:s15] =	ssyncadd.s32 $0xFFFFFC00  }
.Ltmp5:
0x11c: {  	(pc) =	sbr.rel @p3 .LBB2_8-.Ltmp5, $3  }
0x11d: {  	_ =	sdelay $0x1  }
0x11e: {  	_ =	swait.ge [sflag:s15], $0x400  }
0x11f: {  	[sflag:s15] =	ssyncset.done $0x0  }
0x120: {  	[sflag:s15] =	ssyncadd.s32 $0xFFFFFC00;
	s12 =	simm.s32 @!p1 $0xD  }
0x121: {  	_ =	swait.ge @!p1 [sflag:s12], $0x400  }
0x122: {  	[sflag:s12] =	ssyncset.done @!p1 $0x0  }
0x123: {  	[sflag:s12] =	ssyncadd.s32 @!p1 $0xFFFFFC00  }
0x124: {  	_ =	swait.ge [sflag:s15], $0x400  }
0x125: {  	s5 =	simm.s32 $0x1D800;
	s12 =	simm.s32 $0x26;
	[sflag:s15] =	ssyncset.done $0x0  }
.LBB2_10:
0x126: {  	p3 =	sne.s32 s12, $0x1;
	s12 =	sadd.s32 $0xFFFFFFFF, s12;
	[sflag:s15] =	ssyncadd.s32 $0xFFFFFC00  }
.Ltmp6:
0x127: {  	(pc) =	sbr.rel @p3 .LBB2_10-.Ltmp6, $3  }
0x128: {  	_ =	sdelay $0x1  }
0x129: {  	_ =	swait.ge [sflag:s15], $0x400  }
0x12a: {  	[sflag:s15] =	ssyncset.done $0x0  }
0x12b: {  	[sflag:s15] =	ssyncadd.s32 $0xFFFFFC00;
	s12 =	simm.s32 @!p1 $0xD  }
0x12c: {  	_ =	swait.ge @!p1 [sflag:s12], $0x400  }
0x12d: {  	[sflag:s12] =	ssyncset.done @!p1 $0x0  }
0x12e: {  	[sflag:s12] =	ssyncadd.s32 @!p1 $0xFFFFFC00  }
0x12f: {  	_ =	swait.ge [sflag:s15], $0x400  }
0x130: {  	s12 =	simm.s32 $0x26;
	[sflag:s15] =	ssyncset.done $0x0  }
.LBB2_12:
0x131: {  	p3 =	sne.s32 s12, $0x1;
	s12 =	sadd.s32 $0xFFFFFFFF, s12;
	[sflag:s15] =	ssyncadd.s32 $0xFFFFFC00  }
.Ltmp7:
0x132: {  	(pc) =	sbr.rel @p3 .LBB2_12-.Ltmp7, $3  }
0x133: {  	_ =	sdelay $0x1  }
0x134: {  	_ =	swait.ge [sflag:s15], $0x400  }
0x135: {  	[sflag:s15] =	ssyncset.done $0x0  }
0x136: {  	[sflag:s15] =	ssyncadd.s32 $0xFFFFFC00;
	s12 =	simm.s32 @!p1 $0xD  }
0x137: {  	_ =	swait.ge @!p1 [sflag:s12], $0x400  }
0x138: {  	[sflag:s12] =	ssyncset.done @!p1 $0x0  }
0x139: {  	[sflag:s12] =	ssyncadd.s32 @!p1 $0xFFFFFC00  }
0x13a: {  	_ =	swait.ge [sflag:s15], $0x50  }
0x13b: {  	[sflag:s15] =	ssyncset.done $0x0  }
0x13c: {  	[sflag:s15] =	ssyncadd.s32 $0xFFFFFFB0  }
0x13d: {  	_ =	swait.ge [sflag:s15], $0x50  }
0x13e: {  	[sflag:s15] =	ssyncset.done $0x0  }
0x13f: {  	[sflag:s15] =	ssyncadd.s32 $0xFFFFFFB0  }
0x140: {  	_ =	swait.ge [sflag:s15], $0x50  }
0x141: {  	[sflag:s15] =	ssyncset.done $0x0  }
0x142: {  	[sflag:s15] =	ssyncadd.s32 $0xFFFFFFB0  }
0x143: {  	_ =	swait.ge [sflag:s15], $0x50  }
0x144: {  	[sflag:s15] =	ssyncset.done $0x0  }
0x145: {  	[sflag:s15] =	ssyncadd.s32 $0xFFFFFFB0  }
0x146: {  	_ =	swait.ge [sflag:s15], $0x50  }
0x147: {  	[sflag:s15] =	ssyncset.done $0x0  }
0x148: {  	[sflag:s15] =	ssyncadd.s32 $0xFFFFFFB0  }
0x149: {  	_ =	swait.ge [sflag:s15], $0x50  }
0x14a: {  	[sflag:s15] =	ssyncset.done $0x0  }
0x14b: {  	[sflag:s15] =	ssyncadd.s32 $0xFFFFFFB0  }
0x14c: {  	_ =	swait.ge [sflag:s15], $0x50  }
0x14d: {  	[sflag:s15] =	ssyncset.done $0x0  }
0x14e: {  	[sflag:s15] =	ssyncadd.s32 $0xFFFFFFB0  }
0x14f: {  	_ =	swait.ge [sflag:s15], $0x50  }
0x150: {  	[sflag:s15] =	ssyncset.done $0x0  }
0x151: {  	[sflag:s15] =	ssyncadd.s32 $0xFFFFFFB0  }
0x152: {  	[bflag:$0x0] =	sbarrier.arrive $0xFFFF  }
0x153: {  	s9 =	rddreg [dreg:$0xa]  }
0x154: {  	[tilespmem:s5], [sflag:$0x1] =	stream.strided.gather [hbm4b:s9+s16], $0x78, s17, s16, $0x38;
	[tilespmem:$0x1FD48] =	vst v63  }
.Ltmp8:
0x155: {  	s22 =	simm.s32 $0x1D878;
	(pc) =	sbr.rel .LBB2_14-.Ltmp8, $4  }
0x156: {  	s31 =	simm.s32 $0x1D8F0;
	s12 =	simm.s32 $0x0;
	s18 =	rddreg [dreg:$0xb]  }
0x157: {  	[tilespmem:s22], [sflag:$0x2] =	stream.strided.gather [hbm4b:s18+s16], $0x78, s17, s16, $0x38;
	[tilespmem:$0x1FD48] =	vst v63  }
0x158: {  	s26 =	rddreg [dreg:$0x1f];
	s5 =	simm.s32 $0x1D800;
	s18 =	simm.s32 $0x0  }
0x159: {  	[tilespmem:s31], [sflag:$0x3] =	stream.strided.gather [hbm4b:s26+s16], $0x78, s17, s16, $0x38;
	[tilespmem:$0x1FD48] =	vst v63  }
.LBB2_19:
0x15a: {  	s9 =	simm.s32 $0x1DA08  }
0x15b: {  	[tilespmem:s28], [sflag:$0x5] =	stream.indirect.gather [hbm4b:s1+s16], $0x40, s9, s16, $0xb8;
	[tilespmem:$0x1FD48] =	vst v63  }
.LBB2_21:
0x15c: {  	s22 =	sxor.u32 s6, s18  }
0x15d: {  	_ =	swait.ge [sflag:s29], $0xA00;
	s22 =	sand.u32 $0x1, s22  }
0x15e: {  	[sflag:s29] =	ssyncset.done $0x0;
	p3 =	seq.s32 s22, $0x0  }
0x15f: {  	[sflag:s29] =	ssyncadd.s32 $0xFFFFF600;
	s22 =	simm.s32 @!p3 $0xC  }
0x160: {  	_ =	swait.ge @!p3 [sflag:s22], $0x28  }
0x161: {  	[sflag:s22] =	ssyncset.done @!p3 $0x0  }
0x162: {  	[sflag:s22] =	ssyncadd.s32 @!p3 $0xFFFFFFD8  }
.LBB2_22:
0x163: {  	_ =	swait.ge [sflag:s30], $0x78  }
0x164: {  	[sflag:s30] =	ssyncset.done $0x0  }
0x165: {  	[sflag:s30] =	ssyncadd.s32 $0xFFFFFF88  }
0x166: {  	v3 =	vld [tilespmem:$0x1D940]  }
0x167: {  	v4 =	vld [tilespmem:$0x1D918]  }
0x168: {  	v5 =	vld [tilespmem:$0x1D918]  }
0x169: {  	v6 =	vld [tilespmem:$0x1D8F0]  }
0x16a: {  	v7 =	vld [tilespmem:$0x1D950]  }
0x16b: {  	v8 =	vld [tilespmem:$0x1D928]  }
0x16c: {  	v9 =	vld [tilespmem:$0x1D900];
	v3 =	vmul.u32 $0x2710, v3  }
0x16d: {  	v10 =	vld [tilespmem:$0x1D958]  }
0x16e: {  	v58 =	vld [tilespmem:$0x1D928];
	v3 =	vadd.s32 v4, v3  }
0x16f: {  	v60 =	vld [tilespmem:$0x1D930];
	v59 =	vmul.u32 $0x2710, v7;
	[tilespmem:$0x1D9B8] =	vst v3;
	v3 =	vshll.u32 v6, $0x1  }
0x170: {  	v61 =	vld [tilespmem:$0x1D908];
	[tilespmem:$0x1DAA8] =	vst v5;
	v3 =	vor.u32 v0, v3  }
0x171: {  	v62 =	vld [tilespmem:$0x1D930];
	[tilespmem:$0x1DA30] =	vst v3;
	v3 =	vadd.s32 v8, v59  }
0x172: {  	v63 =	vmul.u32 $0x2710, v10;
	[tilespmem:$0x1D9C8] =	vst v3;
	v3 =	vshll.u32 v9, $0x1  }
0x173: {  	[tilespmem:$0x1DAB8] =	vst v58;
	v3 =	vor.u32 v0, v3  }
0x174: {  	[tilespmem:$0x1DA40] =	vst v3;
	v3 =	vadd.s32 v60, v63  }
0x175: {  	p3 =	seq.s32 s12, $0x9BA;
	[tilespmem:$0x1D9D0] =	vst v3;
	v3 =	vshll.u32 v61, $0x1  }
0x176: {  	s22 =	sadd.s32 @!p3 s12, s21;
	s26 =	simm.s32 @!p3 $0x28;
	[tilespmem:$0x1DAC0] =	vst v62;
	v3 =	vor.u32 v0, v3  }
0x177: {  	s31 =	simm.s32 @!p3 $0x4E480;
	s9 =	simm.s32 @!p3 $0x1D8F0;
	s22 =	sadd.s32 @!p3 $0x19, s22;
	[tilespmem:$0x1DA48] =	vst v3  }
0x178: {  	[tilespmem:s9], [sflag:$0x3] =	stream.strided.gather @!p3 [hbm4b:s22+s26], $0x78, s31, s26, $0x38;
	[tilespmem:$0x1FD48] =	vst v63  }
0x179: {  	s22 =	simm.s32 $0x1DA30  }
0x17a: {  	[tilespmem:s0], [sflag:$0x6] =	stream.indirect.gather [hbm4b:s1+s16], $0x40, s22, s16, $0xb8;
	[tilespmem:$0x1FD48] =	vst v63  }
0x17b: {  	_ =	swait.ge [sflag:s4], $0xA00  }
0x17c: {  	s31 =	sand.u32 $0x1, s18;
	[sflag:s4] =	ssyncset.done $0x0  }
0x17d: {  	s26 =	simm.s32 $0x1D968;
	p3 =	sne.s32 s7, s31;
	[sflag:s4] =	ssyncadd.s32 $0xFFFFF600  }
0x17e: {  	[spmem:s2] =	stream.indirect.scatter.add.f32 [tilespmem:s23], [sflag:$0x7], $0x40, s26, s16, $0xb8;
	[tilespmem:$0x1FD48] =	vst v63  }
0x17f: {  	s9 =	simm.s32 @!p3 $0x28;
	s22 =	simm.s32 @!p3 $0x1DA58;
	s26 =	simm.s32 @!p3 $0x1F8D0  }
0x180: {  	[spmem:s3] =	stream.indirect.scatter.add.f32 @!p3 [tilespmem:s26], [sflag:$0xA], $0x1, s22, s9, $0xb8;
	[tilespmem:$0x1FD48] =	vst v63  }
0x181: {  	_ =	swait.ge [sflag:s19], $0xA00  }
0x182: {  	[sflag:s19] =	ssyncset.done $0x0  }
0x183: {  	s11 =	simm.s32 $0x1D990;
	[sflag:s19] =	ssyncadd.s32 $0xFFFFF600  }
0x184: {  	[spmem:s2] =	stream.indirect.scatter.add.f32 [tilespmem:s28], [sflag:$0x8], $0x40, s11, s16, $0xb8;
	[tilespmem:$0x1FD48] =	vst v63  }
0x185: {  	s11 =	sxor.u32 s6, s18  }
0x186: {  	s22 =	sand.u32 $0x1, s11  }
0x187: {  	p4 =	seq.s32 s22, $0x0  }
0x188: {  	s22 =	simm.s32 @!p4 $0x28;
	s31 =	simm.s32 @!p4 $0x1DA80;
	s11 =	simm.s32 @!p4 $0x1F8D0  }
0x189: {  	[spmem:s3] =	stream.indirect.scatter.add.f32 @!p4 [tilespmem:s11], [sflag:$0xB], $0x1, s31, s22, $0xb8;
	[tilespmem:$0x1FD48] =	vst v63  }
0x18a: {  	_ =	swait.ge [sflag:s8], $0xA00  }
0x18b: {  	[sflag:s8] =	ssyncset.done $0x0  }
0x18c: {  	s31 =	simm.s32 $0x1D9B8;
	[sflag:s8] =	ssyncadd.s32 $0xFFFFF600  }
0x18d: {  	[spmem:s2] =	stream.indirect.scatter.add.f32 [tilespmem:s0], [sflag:$0x9], $0x40, s31, s16, $0xb8;
	[tilespmem:$0x1FD48] =	vst v63  }
0x18e: {  	s12 =	sadd.s32 $0xF, s12;
	s11 =	simm.s32 @!p3 $0x1DAA8  }
0x18f: {  	[spmem:s3] =	stream.indirect.scatter.add.f32 @!p3 [tilespmem:s26], [sflag:$0xC], $0x1, s11, s9, $0xb8;
	[tilespmem:$0x1FD48] =	vst v63  }
0x190: {  	p3 =	sne.s32 s12, $0x9C9  }
.Ltmp9:
0x191: {  	_ = 	snop;
	(pc) =	sbr.rel @!p3 .LBB2_23-.Ltmp9, $2  }
0x192: {  	_ =	sdelay $0x2  }
0x193: {  	s18 =	sadd.s32 $0x3, s18  }
.LBB2_14:
0x194: {  	p3 =	seq.s32 s12, $0x0  }
0x195: {  	s22 =	sxor.u32 @!p3 s6, s18  }
0x196: {  	s26 =	simm.s32 @!p3 $0x7;
	s22 =	sand.u32 @!p3 $0x1, s22  }
0x197: {  	_ =	swait.ge @!p3 [sflag:s26], $0xA00;
	p4 =	seq.s32 @!p3 s22, $0x0  }
0x198: {  	[sflag:s26] =	ssyncset.done @!p3 $0x0;
	p4 =	por p4, p3  }
0x199: {  	[sflag:s26] =	ssyncadd.s32 @!p3 $0xFFFFF600;
	s22 =	simm.s32 @!p4 $0xA  }
0x19a: {  	_ =	swait.ge @!p4 [sflag:s22], $0x28  }
0x19b: {  	[sflag:s22] =	ssyncset.done @!p4 $0x0  }
0x19c: {  	[sflag:s22] =	ssyncadd.s32 @!p4 $0xFFFFFFD8  }
0x19d: {  	_ =	swait.ge [sflag:s20], $0x78  }
0x19e: {  	[sflag:s20] =	ssyncset.done $0x0  }
0x19f: {  	[sflag:s20] =	ssyncadd.s32 $0xFFFFFF88  }
0x1a0: {  	v3 =	vld [tilespmem:$0x1D850]  }
0x1a1: {  	v4 =	vld [tilespmem:$0x1D828]  }
0x1a2: {  	v5 =	vld [tilespmem:$0x1D828]  }
0x1a3: {  	v6 =	vld [tilespmem:$0x1D800]  }
0x1a4: {  	v7 =	vld [tilespmem:$0x1D860]  }
0x1a5: {  	v8 =	vld [tilespmem:$0x1D838]  }
0x1a6: {  	v9 =	vld [tilespmem:$0x1D810];
	v3 =	vmul.u32 $0x2710, v3  }
0x1a7: {  	v10 =	vld [tilespmem:$0x1D868]  }
0x1a8: {  	v58 =	vld [tilespmem:$0x1D838];
	v3 =	vadd.s32 v4, v3  }
0x1a9: {  	v60 =	vld [tilespmem:$0x1D840];
	v59 =	vmul.u32 $0x2710, v7;
	[tilespmem:$0x1D968] =	vst v3;
	v3 =	vshll.u32 v6, $0x1  }
0x1aa: {  	v61 =	vld [tilespmem:$0x1D818];
	[tilespmem:$0x1DA58] =	vst v5;
	v3 =	vor.u32 v0, v3  }
0x1ab: {  	v62 =	vld [tilespmem:$0x1D840];
	[tilespmem:$0x1D9E0] =	vst v3;
	v3 =	vadd.s32 v8, v59  }
0x1ac: {  	p4 =	sne.s32 s12, $0x9BA;
	v63 =	vmul.u32 $0x2710, v10;
	[tilespmem:$0x1D978] =	vst v3;
	v3 =	vshll.u32 v9, $0x1  }
.Ltmp10:
0x1ad: {  	[tilespmem:$0x1DA68] =	vst v58;
	v3 =	vor.u32 v0, v3;
	(pc) =	sbr.rel @p4 .LBB2_16-.Ltmp10, $4  }
0x1ae: {  	[tilespmem:$0x1D9F0] =	vst v3;
	v3 =	vadd.s32 v60, v63  }
0x1af: {  	[tilespmem:$0x1D980] =	vst v3;
	v3 =	vshll.u32 v61, $0x1  }
0x1b0: {  	[tilespmem:$0x1DA70] =	vst v62;
	v3 =	vor.u32 v0, v3  }
0x1b1: {  	[tilespmem:$0x1D9F8] =	vst v3  }
.Ltmp11:
0x1b2: {  	(pc) =	sbr.rel .LBB2_17-.Ltmp11, $3  }
0x1b3: {  	_ =	sdelay $0x1  }
0x1b4: {  	s9 =	simm.s32 $0x1D9E0  }
0x1b5: {  	[tilespmem:s23], [sflag:$0x4] =	stream.indirect.gather [hbm4b:s1+s16], $0x40, s9, s16, $0xb8;
	[tilespmem:$0x1FD48] =	vst v63  }
.LBB2_16:
.Ltmp12:
0x1b6: {  	s22 =	sadd.s32 s12, s21;
	(pc) =	sbr.rel @p3 .LBB2_18-.Ltmp12, $4  }
0x1b7: {  	s22 =	sadd.s32 $0xF, s22  }
0x1b8: {  	[tilespmem:s5], [sflag:$0x1] =	stream.strided.gather [hbm4b:s22+s16], $0x78, s17, s16, $0x38;
	[tilespmem:$0x1FD48] =	vst v63  }
0x1b9: {  	s9 =	simm.s32 $0x1D9E0  }
0x1ba: {  	[tilespmem:s23], [sflag:$0x4] =	stream.indirect.gather [hbm4b:s1+s16], $0x40, s9, s16, $0xb8;
	[tilespmem:$0x1FD48] =	vst v63  }
.LBB2_17:
0x1bb: {  	s22 =	sand.u32 $0x1, s18;
	_ =	swait.ge [sflag:s24], $0xA00  }
0x1bc: {  	[sflag:s24] =	ssyncset.done $0x0;
	p5 =	sne.s32 s7, s22  }
0x1bd: {  	[sflag:s24] =	ssyncadd.s32 $0xFFFFF600;
	s22 =	simm.s32 @!p5 $0xB  }
0x1be: {  	_ =	swait.ge @!p5 [sflag:s22], $0x28  }
0x1bf: {  	[sflag:s22] =	ssyncset.done @!p5 $0x0  }
0x1c0: {  	[sflag:s22] =	ssyncadd.s32 @!p5 $0xFFFFFFD8  }
.LBB2_18:
0x1c1: {  	_ =	swait.ge [sflag:s25], $0x78  }
0x1c2: {  	[sflag:s25] =	ssyncset.done $0x0  }
0x1c3: {  	[sflag:s25] =	ssyncadd.s32 $0xFFFFFF88  }
0x1c4: {  	v3 =	vld [tilespmem:$0x1D8C8]  }
0x1c5: {  	v4 =	vld [tilespmem:$0x1D8A0]  }
0x1c6: {  	v5 =	vld [tilespmem:$0x1D8A0]  }
0x1c7: {  	v6 =	vld [tilespmem:$0x1D878]  }
0x1c8: {  	v7 =	vld [tilespmem:$0x1D8D8]  }
0x1c9: {  	v8 =	vld [tilespmem:$0x1D8B0]  }
0x1ca: {  	v9 =	vld [tilespmem:$0x1D888];
	v3 =	vmul.u32 $0x2710, v3  }
0x1cb: {  	v10 =	vld [tilespmem:$0x1D8E0]  }
0x1cc: {  	v58 =	vld [tilespmem:$0x1D8B0];
	v3 =	vadd.s32 v4, v3  }
0x1cd: {  	v60 =	vld [tilespmem:$0x1D8B8];
	v59 =	vmul.u32 $0x2710, v7;
	[tilespmem:$0x1D990] =	vst v3;
	v3 =	vshll.u32 v6, $0x1  }
0x1ce: {  	v61 =	vld [tilespmem:$0x1D890];
	[tilespmem:$0x1DA80] =	vst v5;
	v3 =	vor.u32 v0, v3  }
0x1cf: {  	v62 =	vld [tilespmem:$0x1D8B8];
	[tilespmem:$0x1DA08] =	vst v3;
	v3 =	vadd.s32 v8, v59  }
0x1d0: {  	v63 =	vmul.u32 $0x2710, v10;
	[tilespmem:$0x1D9A0] =	vst v3;
	v3 =	vshll.u32 v9, $0x1  }
.Ltmp13:
0x1d1: {  	[tilespmem:$0x1DA90] =	vst v58;
	v3 =	vor.u32 v0, v3;
	(pc) =	sbr.rel @!p4 .LBB2_19-.Ltmp13, $4  }
0x1d2: {  	[tilespmem:$0x1DA18] =	vst v3;
	v3 =	vadd.s32 v60, v63  }
0x1d3: {  	[tilespmem:$0x1D9A8] =	vst v3;
	v3 =	vshll.u32 v61, $0x1  }
0x1d4: {  	[tilespmem:$0x1DA98] =	vst v62;
	v3 =	vor.u32 v0, v3  }
0x1d5: {  	[tilespmem:$0x1DA20] =	vst v3  }
.Ltmp14:
0x1d6: {  	s22 =	sadd.s32 s12, s21;
	(pc) =	sbr.rel @!p3 .LBB2_21-.Ltmp14, $4  }
.Ltmp15:
0x1d7: {  	s9 =	simm.s32 $0x1D878;
	s22 =	sadd.s32 $0x14, s22;
	(pc) =	sbr.rel @p3 .LBB2_22-.Ltmp15, $4  }
0x1d8: {  	[tilespmem:s9], [sflag:$0x2] =	stream.strided.gather [hbm4b:s22+s16], $0x78, s17, s16, $0x38;
	[tilespmem:$0x1FD48] =	vst v63  }
0x1d9: {  	s31 =	simm.s32 $0x1DA08  }
0x1da: {  	[tilespmem:s28], [sflag:$0x5] =	stream.indirect.gather [hbm4b:s1+s16], $0x40, s31, s16, $0xb8;
	[tilespmem:$0x1FD48] =	vst v63  }
0x1db: {  	_ = 	snop  }
.LBB2_24:
0x1dc: {  	_ =	sfence.sel $0x180000  }
0x1dd: {  	[bflag:$0x0] =	sbarrier.arrive $0xFFFF  }
0x1de: {  	_ =	strace $0x90000047  }
0x1df: {  	s0 =	stileid.u32;
	[bflag:$0x2] =	sbarrier.arrive $0xFFFF  }
0x1e0: {  	p0 =	sne.s32 s0, $0x0;
	s0 =	rddreg [dreg:$0x5]  }
0x1e1: {  	s0 =	sadd.s32 @!p0 $0x100000, s0  }
0x1e2: {  	[sflag:s0] =	ssyncadd.tile.s32 @!p0 $0x1;
	_ =	shalt  }
.Lfunc_end2:
_tile_overlayer_lowered:
.L_overlay_start_2:
0x1e3: {  	(tag) =	ssettag $0x2  }
0x1e4: {  	s0 =	rddreg [dreg:$0x0];
	s2 =	stileid.u32  }
0x1e5: {  	s1 =	rddreg [dreg:$0x1];
	p0 =	sne.s32 s2, $0x0  }
0x1e6: {  	s3 =	rddreg [dreg:$0x2];
	[bflag:$0x3] =	sbarrier.arrive $0xFFFF;
	s2 =	simm.s32 @!p0 $0x1C0E  }
0x1e7: {  	[timem:s3], [sflag:s2] =	dma.local @!p0 [hbm:s0], s1  }
0x1e8: {  	s0 =	simm.s32 @!p0 $0xE  }
0x1e9: {  	_ =	swait.ge @!p0 [sflag:s0], s1  }
0x1ea: {  	s1 =	ssub.s32 @!p0 $0x0, s1;
	[sflag:s0] =	ssyncset.done @!p0 $0x0  }
0x1eb: {  	[sflag:s0] =	ssyncadd.s32 @!p0 s1  }
0x1ec: {  	[bflag:$0x3] =	sbarrier.arrive $0xFFFF  }
0x1ed: {  	_ =	shalt  }

</sc_bundles>
